<compile_context>
chip_gen: v7x
topology: tpu7x:2x2x1
jax: 0.10.2.dev20260603
libtpu: 0.0.44.dev20260713+nightly
codegen_flags: <defaults>
</compile_context>

<pallas_src>
import functools

import jax
import jax.numpy as jnp
from jax import lax
from jax.experimental import pallas as pl
from jax.experimental.pallas import tpu as pltpu
from jax.experimental.pallas import tpu_sc as plsc

_NC = 2
_NS = 16
_NW = _NC * _NS
_CHUNK = 128
_G = 128


def _sc_aggregate(x_p, src_p, dstr, ea_p, n):
    d = x_p.shape[1]
    de = ea_p.shape[1]
    e_pad = src_p.shape[0]
    per_t = e_pad // _NS
    n_chunks = per_t // _CHUNK
    n_acc = -(-n // 8) * 8
    rpt = -(-n_acc // (8 * _NS)) * 8
    n_zd = -(-rpt // _CHUNK)

    mesh = plsc.VectorSubcoreMesh(core_axis_name="c", subcore_axis_name="s")

    @functools.partial(
        pl.kernel,
        out_type=[
            jax.ShapeDtypeStruct((n_acc, d), jnp.float32),
            jax.ShapeDtypeStruct((n_acc, d), jnp.float32),
        ],
        mesh=mesh,
        scratch_types=[
            pltpu.VMEM((_CHUNK,), jnp.int32),
            pltpu.VMEM((2, 64), jnp.int32),
            pltpu.VMEM((_CHUNK, d), jnp.float32),
            pltpu.VMEM((64, de), jnp.float32),
            pltpu.VMEM((64, d), jnp.float32),
            pltpu.VMEM_SHARED((n_acc, d), jnp.float32),
            pltpu.SemaphoreType.DMA,
            pltpu.SemaphoreType.DMA,
        ],
    )
    def k(x_hbm, src_hbm, dstr_hbm, ea_hbm, outd_hbm, oute_hbm,
          srcv, dst2, gbuf, ebuf32, ebuf, acc, sem, sem2):
        c = lax.axis_index("c")
        s = lax.axis_index("s")
        z16 = jnp.zeros((16,), jnp.float32)
        iota = lax.iota(jnp.int32, 16)

        def ident128(base_r):
            for j in range(_CHUNK // 16):
                srcv[pl.ds(j * 16, 16)] = base_r + j * 16 + iota

        @pl.loop(0, _CHUNK)
        def _(r):
            for j in range(d // 16):
                gbuf[r, pl.ds(j * 16, 16)] = z16

        @pl.loop(0, 64)
        def _(r):
            for j in range(d // 16):
                ebuf[r, pl.ds(j * 16, 16)] = z16

        @pl.loop(0, n_zd)
        def _(k_):
            ident128(jnp.minimum(s * rpt + k_ * _CHUNK, n_acc - _CHUNK))
            pltpu.sync_copy(gbuf, acc.at[srcv])

        plsc.subcore_barrier()

        @pl.when(c == 0)
        def _():
            @pl.loop(0, n_chunks)
            def _(i):
                base = s * per_t + i * _CHUNK
                pltpu.sync_copy(src_hbm.at[pl.ds(base, _CHUNK)], srcv)
                hg = pltpu.async_copy(x_hbm.at[srcv], gbuf, sem)
                pltpu.sync_copy(
                    dstr_hbm.at[pl.ds(s * (per_t // 64) + i * 2, 2)], dst2)
                hg.wait()
                hs = [pltpu.async_copy(gbuf.at[pl.ds(j * 64, 64)],
                                       acc.at[dst2.at[j]], sem2, add=True)
                      for j in range(2)]
                for h in hs:
                    h.wait()

        @pl.when(c == 1)
        def _():
            @pl.loop(0, n_chunks)
            def _(i):
                base = s * per_t + i * _CHUNK
                pltpu.sync_copy(
                    dstr_hbm.at[pl.ds(s * (per_t // 64) + i * 2, 2)], dst2)
                pltpu.sync_copy(ea_hbm.at[pl.ds(base, 64)], ebuf32)

                @pl.loop(0, 64)
                def _(r):
                    for q in range(de // 16):
                        ebuf[r, pl.ds(q * 16, 16)] = (
                            ebuf32[r, pl.ds(q * 16, 16)])

                hs = pltpu.async_copy(ebuf, acc.at[dst2.at[0]], sem2,
                                      add=True)
                pltpu.sync_copy(ea_hbm.at[pl.ds(base + 64, 64)], ebuf32)
                hs.wait()

                @pl.loop(0, 64)
                def _(r):
                    for q in range(de // 16):
                        ebuf[r, pl.ds(q * 16, 16)] = (
                            ebuf32[r, pl.ds(q * 16, 16)])

                pltpu.sync_copy(ebuf, acc.at[dst2.at[1]], add=True)

        plsc.subcore_barrier()

        @pl.loop(0, n_zd)
        def _(k_):
            base_r = jnp.minimum(s * rpt + k_ * _CHUNK, n_acc - _CHUNK)
            ident128(base_r)
            pltpu.async_copy(acc.at[srcv], gbuf, sem).wait()

            @pl.when(c == 0)
            def _():
                pltpu.sync_copy(gbuf, outd_hbm.at[pl.ds(base_r, _CHUNK)])

            @pl.when(c == 1)
            def _():
                pltpu.sync_copy(gbuf, oute_hbm.at[pl.ds(base_r, _CHUNK)])

    return k(x_p, src_p, dstr, ea_p)


def _tc_head(x, aggd, agge, batch3, W_edge, W_msg, b_msg2, W_pred, b_pred2):
    n, d = x.shape
    de = W_edge.shape[0]
    t = W_pred.shape[1]
    nb = 1000
    grid = n // nb
    f32 = jnp.float32
    hi = lax.Precision.HIGHEST

    def body(x_ref, ad_ref, ae_ref, b_ref, we_ref, wm_ref, bm_ref, wp_ref,
             bp_ref, out_ref, acc, cnt):
        i = pl.program_id(0)

        @pl.when(i == 0)
        def _():
            acc[...] = jnp.zeros_like(acc)
            cnt[...] = jnp.zeros_like(cnt)

        a = x_ref[...] + ad_ref[...]
        h = a + jnp.dot(ae_ref[...], we_ref[...], preferred_element_type=f32,
                        precision=hi)
        z = jnp.dot(h, wm_ref[...], preferred_element_type=f32,
                    precision=hi) + bm_ref[...]
        r = jnp.maximum(z, 0.0)
        b2 = b_ref[0]
        p = (lax.broadcasted_iota(jnp.int32, (_G, nb), 0) == b2).astype(f32)
        acc[...] += jnp.dot(p, r, preferred_element_type=f32, precision=hi)
        cnt[...] += jnp.broadcast_to(jnp.sum(p, axis=1, keepdims=True),
                                     cnt.shape)

        @pl.when(i == grid - 1)
        def _():
            g = acc[...] / jnp.clip(cnt[...], 1.0, None)
            out_ref[...] = jnp.dot(g, wp_ref[...], preferred_element_type=f32,
                                   precision=hi) + bp_ref[...]

    return pl.pallas_call(
        body,
        grid=(grid,),
        in_specs=[
            pl.BlockSpec((nb, d), lambda i: (i, 0)),
            pl.BlockSpec((nb, d), lambda i: (i, 0)),
            pl.BlockSpec((nb, de), lambda i: (i, 0)),
            pl.BlockSpec((1, 1, nb), lambda i: (i, 0, 0)),
            pl.BlockSpec((de, d), lambda i: (0, 0)),
            pl.BlockSpec((d, d), lambda i: (0, 0)),
            pl.BlockSpec((1, d), lambda i: (0, 0)),
            pl.BlockSpec((d, t), lambda i: (0, 0)),
            pl.BlockSpec((1, t), lambda i: (0, 0)),
        ],
        out_specs=pl.BlockSpec((_G, t), lambda i: (0, 0)),
        out_shape=jax.ShapeDtypeStruct((_G, t), f32),
        scratch_shapes=[
            pltpu.VMEM((_G, d), f32),
            pltpu.VMEM((_G, d), f32),
        ],
    )(x, aggd, agge, batch3, W_edge, W_msg, b_msg2, W_pred, b_pred2)


def kernel(x, edge_index, edge_attr, batch, W_edge, W_msg, b_msg, W_pred,
           b_pred):
    n, d = x.shape
    e = edge_index.shape[1]
    de = edge_attr.shape[1]
    t = W_pred.shape[1]

    stride = _NS * _CHUNK
    e_pad = ((e + stride - 1) // stride) * stride
    pad = e_pad - e

    x_p = jnp.pad(x, ((0, 8), (0, 0)))
    src_p = jnp.concatenate([edge_index[0],
                             jnp.full((pad,), n, jnp.int32)])
    dst_p = jnp.concatenate([edge_index[1],
                             jnp.zeros((pad,), jnp.int32)])
    dstr = dst_p.reshape(-1, 64)
    ea_p = jnp.pad(edge_attr, ((0, pad), (0, 0)))
    We_p = jnp.pad(W_edge, ((0, d - de), (0, 0)))
    aggd, agge = _sc_aggregate(x_p, src_p, dstr, ea_p, n)

    batch3 = batch.reshape(n // 1000, 1, 1000)
    out = _tc_head(x, aggd, agge, batch3, We_p, W_msg,
                   b_msg.reshape(1, d), W_pred, b_pred.reshape(1, t))
    return out

# --- scband reference (transcript-rebuilt; emitter-appended) ---
"""Pipeline reference for scband-gnn-graphpred-25881472926574 (READ-ONLY COPY).

The authoritative reference and input builder live on the scoring server;
editing this copy changes nothing except your own understanding.
"""

import jax, jax.numpy as jnp
import numpy as np

N = 10000
E = 320000
D = 128
DE = 16
G = 128
T = 12


def setup_inputs(seed: int = 0) -> dict:
    key = jax.random.key(seed)
    ks = jax.random.split(key, 10)
    x = jax.random.normal(ks[0], (N, D), dtype=jnp.float32)
    edge_index = jax.random.randint(ks[1], (2, E), 0, N, dtype=jnp.int32)
    edge_attr = jax.random.normal(ks[2], (E, DE), dtype=jnp.float32)
    batch = jnp.sort(jax.random.randint(ks[3], (N,), 0, G, dtype=jnp.int32))
    # learned parameters: molecule_model (single GIN-style edge-aware MP layer) + graph_pred_linear
    W_edge = jax.random.normal(ks[4], (DE, D), dtype=jnp.float32) * 0.05
    W_msg = jax.random.normal(ks[5], (D, D), dtype=jnp.float32) * 0.05
    b_msg = jnp.zeros((D,), dtype=jnp.float32)
    W_pred = jax.random.normal(ks[6], (D, T), dtype=jnp.float32) * 0.05
    b_pred = jnp.zeros((T,), dtype=jnp.float32)
    return {"x": x, "edge_index": edge_index, "edge_attr": edge_attr, "batch": batch,
            "W_edge": W_edge, "W_msg": W_msg, "b_msg": b_msg, "W_pred": W_pred, "b_pred": b_pred}


def reference(x, edge_index, edge_attr, batch, W_edge, W_msg, b_msg, W_pred, b_pred):
    src = edge_index[0]
    dst = edge_index[1]
    # molecule_model: GIN-style message passing with edge features (edge-attr concat-by-add)
    msg = jnp.take(x, src, axis=0) + edge_attr @ W_edge        # gather [E, D]
    agg = jax.ops.segment_sum(msg, dst, num_segments=N)        # scatter-add [N, D]
    node_representation = jax.nn.relu((x + agg) @ W_msg + b_msg)
    # global_mean_pool over graphs
    graph_sum = jax.ops.segment_sum(node_representation, batch, num_segments=G)
    counts = jax.ops.segment_sum(jnp.ones((N, 1), dtype=jnp.float32), batch, num_segments=G)
    graph_representation = graph_sum / jnp.clip(counts, 1.0, None)
    # graph_pred_linear
    output = graph_representation @ W_pred + b_pred
    return output

if __name__ == "__main__":
    import jax
    _d = setup_inputs()
    print(jax.jit(kernel)(*tuple(_d.values())))

</pallas_src>

<mosaic_0001>
#map = affine_map<(d0, d1) -> (0, 0)>
#map1 = affine_map<(d0, d1) -> (0)>
module attributes {stable_mosaic.version = 14 : i64} {
  func.func @k(%arg0: i32, %arg1: i32, %arg2: memref<10008x128xf32, #tpu.memory_space<hbm>>, %arg3: memref<321536xi32, #tpu.memory_space<hbm>>, %arg4: memref<5024x64xi32, #tpu.memory_space<hbm>>, %arg5: memref<321536x16xf32, #tpu.memory_space<hbm>>, %arg6: memref<10000x128xf32, #tpu.memory_space<hbm>>, %arg7: memref<10000x128xf32, #tpu.memory_space<hbm>>, %arg8: memref<128xi32, #tpu.memory_space<vmem>>, %arg9: memref<2x64xi32, #tpu.memory_space<vmem>>, %arg10: memref<128x128xf32, #tpu.memory_space<vmem>>, %arg11: memref<64x16xf32, #tpu.memory_space<vmem>>, %arg12: memref<64x128xf32, #tpu.memory_space<vmem>>, %arg13: memref<10000x128xf32, #tpu.memory_space<vmem_shared>>, %arg14: memref<!tpu.dma_semaphore, #tpu.memory_space<semaphore_mem>>, %arg15: memref<!tpu.dma_semaphore, #tpu.memory_space<semaphore_mem>>) attributes {dimension_semantics = [#tpu.dimension_semantics<core_parallel>, #tpu.dimension_semantics<subcore_parallel>], iteration_bounds = array<i64: 2, 16>, scalar_prefetch = 0 : i64, scratch_operands = 8 : i64, tpu.core_type = #tpu.core_type<sc_vector_subcore>, window_params = [{transform_indices = #map}, {transform_indices = #map1}, {transform_indices = #map}, {transform_indices = #map}, {transform_indices = #map}, {transform_indices = #map}]} {
    %broadcast_in_dim3A = arith.constant 0.000000e+00 : f32
    %broadcast_in_dim3A_0 = vector.broadcast %broadcast_in_dim3A : f32 to vector<16xf32>
    %iota3A = tpu.iota {dimensions = array<i32: 0>} : vector<16xi32>
    %scan3A = arith.constant 0 : i32
    %scan3A_1 = arith.constant 128 : i32
    %scan3A_2 = arith.addi %scan3A, %scan3A_1 : i32
    %scan3A_3 = arith.constant 1 : i32
    scf.for %scan3A_28 = %scan3A to %scan3A_2 step %scan3A_3  : i32 {
      %mul3A = arith.constant 1 : i32
      %mul3A_29 = arith.muli %scan3A_28, %mul3A : i32
      %add3A = arith.constant 0 : i32
      %add3A_30 = arith.addi %add3A, %mul3A_29 : i32
      %swap3A = arith.index_cast %add3A_30 : i32 to index
      %swap3A_31 = arith.constant 0 : index
      %swap3A_32 = tpu.vector_load %arg10[%swap3A, %swap3A_31] {strides = array<i32>} : memref<128x128xf32, #tpu.memory_space<vmem>>, vector<1x16xf32>,
      %swap3A_33 = vector.shape_cast %swap3A_32 : vector<1x16xf32> to vector<16xf32>
      %swap3A_34 = vector.shape_cast %broadcast_in_dim3A_0 : vector<16xf32> to vector<1x16xf32>
      tpu.vector_store %arg10[%swap3A, %swap3A_31], %swap3A_34 {strides = array<i32>} : memref<128x128xf32, #tpu.memory_space<vmem>>, vector<1x16xf32>,
      %swap3A_35 = arith.index_cast %add3A_30 : i32 to index
      %swap3A_36 = arith.constant 16 : index
      %swap3A_37 = tpu.vector_load %arg10[%swap3A_35, %swap3A_36] {strides = array<i32>} : memref<128x128xf32, #tpu.memory_space<vmem>>, vector<1x16xf32>,
      %swap3A_38 = vector.shape_cast %swap3A_37 : vector<1x16xf32> to vector<16xf32>
      %swap3A_39 = vector.shape_cast %broadcast_in_dim3A_0 : vector<16xf32> to vector<1x16xf32>
      tpu.vector_store %arg10[%swap3A_35, %swap3A_36], %swap3A_39 {strides = array<i32>} : memref<128x128xf32, #tpu.memory_space<vmem>>, vector<1x16xf32>,
      %swap3A_40 = arith.index_cast %add3A_30 : i32 to index
      %swap3A_41 = arith.constant 32 : index
      %swap3A_42 = tpu.vector_load %arg10[%swap3A_40, %swap3A_41] {strides = array<i32>} : memref<128x128xf32, #tpu.memory_space<vmem>>, vector<1x16xf32>,
      %swap3A_43 = vector.shape_cast %swap3A_42 : vector<1x16xf32> to vector<16xf32>
      %swap3A_44 = vector.shape_cast %broadcast_in_dim3A_0 : vector<16xf32> to vector<1x16xf32>
      tpu.vector_store %arg10[%swap3A_40, %swap3A_41], %swap3A_44 {strides = array<i32>} : memref<128x128xf32, #tpu.memory_space<vmem>>, vector<1x16xf32>,
      %swap3A_45 = arith.index_cast %add3A_30 : i32 to index
      %swap3A_46 = arith.constant 48 : index
      %swap3A_47 = tpu.vector_load %arg10[%swap3A_45, %swap3A_46] {strides = array<i32>} : memref<128x128xf32, #tpu.memory_space<vmem>>, vector<1x16xf32>,
      %swap3A_48 = vector.shape_cast %swap3A_47 : vector<1x16xf32> to vector<16xf32>
      %swap3A_49 = vector.shape_cast %broadcast_in_dim3A_0 : vector<16xf32> to vector<1x16xf32>
      tpu.vector_store %arg10[%swap3A_45, %swap3A_46], %swap3A_49 {strides = array<i32>} : memref<128x128xf32, #tpu.memory_space<vmem>>, vector<1x16xf32>,
      %swap3A_50 = arith.index_cast %add3A_30 : i32 to index
      %swap3A_51 = arith.constant 64 : index
      %swap3A_52 = tpu.vector_load %arg10[%swap3A_50, %swap3A_51] {strides = array<i32>} : memref<128x128xf32, #tpu.memory_space<vmem>>, vector<1x16xf32>,
      %swap3A_53 = vector.shape_cast %swap3A_52 : vector<1x16xf32> to vector<16xf32>
      %swap3A_54 = vector.shape_cast %broadcast_in_dim3A_0 : vector<16xf32> to vector<1x16xf32>
      tpu.vector_store %arg10[%swap3A_50, %swap3A_51], %swap3A_54 {strides = array<i32>} : memref<128x128xf32, #tpu.memory_space<vmem>>, vector<1x16xf32>,
      %swap3A_55 = arith.index_cast %add3A_30 : i32 to index
      %swap3A_56 = arith.constant 80 : index
      %swap3A_57 = tpu.vector_load %arg10[%swap3A_55, %swap3A_56] {strides = array<i32>} : memref<128x128xf32, #tpu.memory_space<vmem>>, vector<1x16xf32>,
      %swap3A_58 = vector.shape_cast %swap3A_57 : vector<1x16xf32> to vector<16xf32>
      %swap3A_59 = vector.shape_cast %broadcast_in_dim3A_0 : vector<16xf32> to vector<1x16xf32>
      tpu.vector_store %arg10[%swap3A_55, %swap3A_56], %swap3A_59 {strides = array<i32>} : memref<128x128xf32, #tpu.memory_space<vmem>>, vector<1x16xf32>,
      %swap3A_60 = arith.index_cast %add3A_30 : i32 to index
      %swap3A_61 = arith.constant 96 : index
      %swap3A_62 = tpu.vector_load %arg10[%swap3A_60, %swap3A_61] {strides = array<i32>} : memref<128x128xf32, #tpu.memory_space<vmem>>, vector<1x16xf32>,
      %swap3A_63 = vector.shape_cast %swap3A_62 : vector<1x16xf32> to vector<16xf32>
      %swap3A_64 = vector.shape_cast %broadcast_in_dim3A_0 : vector<16xf32> to vector<1x16xf32>
      tpu.vector_store %arg10[%swap3A_60, %swap3A_61], %swap3A_64 {strides = array<i32>} : memref<128x128xf32, #tpu.memory_space<vmem>>, vector<1x16xf32>,
      %swap3A_65 = arith.index_cast %add3A_30 : i32 to index
      %swap3A_66 = arith.constant 112 : index
      %swap3A_67 = tpu.vector_load %arg10[%swap3A_65, %swap3A_66] {strides = array<i32>} : memref<128x128xf32, #tpu.memory_space<vmem>>, vector<1x16xf32>,
      %swap3A_68 = vector.shape_cast %swap3A_67 : vector<1x16xf32> to vector<16xf32>
      %swap3A_69 = vector.shape_cast %broadcast_in_dim3A_0 : vector<16xf32> to vector<1x16xf32>
      tpu.vector_store %arg10[%swap3A_65, %swap3A_66], %swap3A_69 {strides = array<i32>} : memref<128x128xf32, #tpu.memory_space<vmem>>, vector<1x16xf32>,
    }
    %scan3A_4 = arith.constant 128 : i32
    %scan3A_5 = arith.constant 0 : i32
    %scan3A_6 = arith.constant 64 : i32
    %scan3A_7 = arith.addi %scan3A_5, %scan3A_6 : i32
    %scan3A_8 = arith.constant 1 : i32
    scf.for %scan3A_28 = %scan3A_5 to %scan3A_7 step %scan3A_8  : i32 {
      %mul3A = arith.constant 1 : i32
      %mul3A_29 = arith.muli %scan3A_28, %mul3A : i32
      %add3A = arith.constant 0 : i32
      %add3A_30 = arith.addi %add3A, %mul3A_29 : i32
      %swap3A = arith.index_cast %add3A_30 : i32 to index
      %swap3A_31 = arith.constant 0 : index
      %swap3A_32 = tpu.vector_load %arg12[%swap3A, %swap3A_31] {strides = array<i32>} : memref<64x128xf32, #tpu.memory_space<vmem>>, vector<1x16xf32>,
      %swap3A_33 = vector.shape_cast %swap3A_32 : vector<1x16xf32> to vector<16xf32>
      %swap3A_34 = vector.shape_cast %broadcast_in_dim3A_0 : vector<16xf32> to vector<1x16xf32>
      tpu.vector_store %arg12[%swap3A, %swap3A_31], %swap3A_34 {strides = array<i32>} : memref<64x128xf32, #tpu.memory_space<vmem>>, vector<1x16xf32>,
      %swap3A_35 = arith.index_cast %add3A_30 : i32 to index
      %swap3A_36 = arith.constant 16 : index
      %swap3A_37 = tpu.vector_load %arg12[%swap3A_35, %swap3A_36] {strides = array<i32>} : memref<64x128xf32, #tpu.memory_space<vmem>>, vector<1x16xf32>,
      %swap3A_38 = vector.shape_cast %swap3A_37 : vector<1x16xf32> to vector<16xf32>
      %swap3A_39 = vector.shape_cast %broadcast_in_dim3A_0 : vector<16xf32> to vector<1x16xf32>
      tpu.vector_store %arg12[%swap3A_35, %swap3A_36], %swap3A_39 {strides = array<i32>} : memref<64x128xf32, #tpu.memory_space<vmem>>, vector<1x16xf32>,
      %swap3A_40 = arith.index_cast %add3A_30 : i32 to index
      %swap3A_41 = arith.constant 32 : index
      %swap3A_42 = tpu.vector_load %arg12[%swap3A_40, %swap3A_41] {strides = array<i32>} : memref<64x128xf32, #tpu.memory_space<vmem>>, vector<1x16xf32>,
      %swap3A_43 = vector.shape_cast %swap3A_42 : vector<1x16xf32> to vector<16xf32>
      %swap3A_44 = vector.shape_cast %broadcast_in_dim3A_0 : vector<16xf32> to vector<1x16xf32>
      tpu.vector_store %arg12[%swap3A_40, %swap3A_41], %swap3A_44 {strides = array<i32>} : memref<64x128xf32, #tpu.memory_space<vmem>>, vector<1x16xf32>,
      %swap3A_45 = arith.index_cast %add3A_30 : i32 to index
      %swap3A_46 = arith.constant 48 : index
      %swap3A_47 = tpu.vector_load %arg12[%swap3A_45, %swap3A_46] {strides = array<i32>} : memref<64x128xf32, #tpu.memory_space<vmem>>, vector<1x16xf32>,
      %swap3A_48 = vector.shape_cast %swap3A_47 : vector<1x16xf32> to vector<16xf32>
      %swap3A_49 = vector.shape_cast %broadcast_in_dim3A_0 : vector<16xf32> to vector<1x16xf32>
      tpu.vector_store %arg12[%swap3A_45, %swap3A_46], %swap3A_49 {strides = array<i32>} : memref<64x128xf32, #tpu.memory_space<vmem>>, vector<1x16xf32>,
      %swap3A_50 = arith.index_cast %add3A_30 : i32 to index
      %swap3A_51 = arith.constant 64 : index
      %swap3A_52 = tpu.vector_load %arg12[%swap3A_50, %swap3A_51] {strides = array<i32>} : memref<64x128xf32, #tpu.memory_space<vmem>>, vector<1x16xf32>,
      %swap3A_53 = vector.shape_cast %swap3A_52 : vector<1x16xf32> to vector<16xf32>
      %swap3A_54 = vector.shape_cast %broadcast_in_dim3A_0 : vector<16xf32> to vector<1x16xf32>
      tpu.vector_store %arg12[%swap3A_50, %swap3A_51], %swap3A_54 {strides = array<i32>} : memref<64x128xf32, #tpu.memory_space<vmem>>, vector<1x16xf32>,
      %swap3A_55 = arith.index_cast %add3A_30 : i32 to index
      %swap3A_56 = arith.constant 80 : index
      %swap3A_57 = tpu.vector_load %arg12[%swap3A_55, %swap3A_56] {strides = array<i32>} : memref<64x128xf32, #tpu.memory_space<vmem>>, vector<1x16xf32>,
      %swap3A_58 = vector.shape_cast %swap3A_57 : vector<1x16xf32> to vector<16xf32>
      %swap3A_59 = vector.shape_cast %broadcast_in_dim3A_0 : vector<16xf32> to vector<1x16xf32>
      tpu.vector_store %arg12[%swap3A_55, %swap3A_56], %swap3A_59 {strides = array<i32>} : memref<64x128xf32, #tpu.memory_space<vmem>>, vector<1x16xf32>,
      %swap3A_60 = arith.index_cast %add3A_30 : i32 to index
      %swap3A_61 = arith.constant 96 : index
      %swap3A_62 = tpu.vector_load %arg12[%swap3A_60, %swap3A_61] {strides = array<i32>} : memref<64x128xf32, #tpu.memory_space<vmem>>, vector<1x16xf32>,
      %swap3A_63 = vector.shape_cast %swap3A_62 : vector<1x16xf32> to vector<16xf32>
      %swap3A_64 = vector.shape_cast %broadcast_in_dim3A_0 : vector<16xf32> to vector<1x16xf32>
      tpu.vector_store %arg12[%swap3A_60, %swap3A_61], %swap3A_64 {strides = array<i32>} : memref<64x128xf32, #tpu.memory_space<vmem>>, vector<1x16xf32>,
      %swap3A_65 = arith.index_cast %add3A_30 : i32 to index
      %swap3A_66 = arith.constant 112 : index
      %swap3A_67 = tpu.vector_load %arg12[%swap3A_65, %swap3A_66] {strides = array<i32>} : memref<64x128xf32, #tpu.memory_space<vmem>>, vector<1x16xf32>,
      %swap3A_68 = vector.shape_cast %swap3A_67 : vector<1x16xf32> to vector<16xf32>
      %swap3A_69 = vector.shape_cast %broadcast_in_dim3A_0 : vector<16xf32> to vector<1x16xf32>
      tpu.vector_store %arg12[%swap3A_65, %swap3A_66], %swap3A_69 {strides = array<i32>} : memref<64x128xf32, #tpu.memory_space<vmem>>, vector<1x16xf32>,
    }
    %scan3A_9 = arith.constant 64 : i32
    %scan3A_10 = arith.constant 0 : i32
    %scan3A_11 = arith.constant 5 : i32
    %scan3A_12 = arith.addi %scan3A_10, %scan3A_11 : i32
    %scan3A_13 = arith.constant 1 : i32
    scf.for %scan3A_28 = %scan3A_10 to %scan3A_12 step %scan3A_13  : i32 {
      %mul3A = arith.constant 1 : i32
      %mul3A_29 = arith.muli %scan3A_28, %mul3A : i32
      %add3A = arith.constant 0 : i32
      %add3A_30 = arith.addi %add3A, %mul3A_29 : i32
      %mul3A_31 = arith.constant 632 : i32
      %mul3A_32 = arith.muli %arg1, %mul3A_31 : i32
      %mul3A_33 = arith.constant 128 : i32
      %mul3A_34 = arith.muli %add3A_30, %mul3A_33 : i32
      %add3A_35 = arith.addi %mul3A_32, %mul3A_34 : i32
      %min3A = arith.constant 9872 : i32
      %min3A_36 = arith.minsi %add3A_35, %min3A : i32
      %add3A_37 = arith.constant 0 : i32
      %add3A_38 = arith.addi %min3A_36, %add3A_37 : i32
      %add3A_39 = vector.broadcast %add3A_38 : i32 to vector<16xi32>
      %add3A_40 = arith.addi %add3A_39, %iota3A : vector<16xi32>
      %swap3A = arith.constant 0 : index
      %swap3A_41 = tpu.vector_load %arg8[%swap3A] {strides = array<i32>} : memref<128xi32, #tpu.memory_space<vmem>>, vector<16xi32>,
      %swap3A_42 = vector.shape_cast %swap3A_41 : vector<16xi32> to vector<16xi32>
      %swap3A_43 = vector.shape_cast %add3A_40 : vector<16xi32> to vector<16xi32>
      tpu.vector_store %arg8[%swap3A], %swap3A_43 {strides = array<i32>} : memref<128xi32, #tpu.memory_space<vmem>>, vector<16xi32>,
      %add3A_44 = arith.constant 16 : i32
      %add3A_45 = arith.addi %min3A_36, %add3A_44 : i32
      %add3A_46 = vector.broadcast %add3A_45 : i32 to vector<16xi32>
      %add3A_47 = arith.addi %add3A_46, %iota3A : vector<16xi32>
      %swap3A_48 = arith.constant 16 : index
      %swap3A_49 = tpu.vector_load %arg8[%swap3A_48] {strides = array<i32>} : memref<128xi32, #tpu.memory_space<vmem>>, vector<16xi32>,
      %swap3A_50 = vector.shape_cast %swap3A_49 : vector<16xi32> to vector<16xi32>
      %swap3A_51 = vector.shape_cast %add3A_47 : vector<16xi32> to vector<16xi32>
      tpu.vector_store %arg8[%swap3A_48], %swap3A_51 {strides = array<i32>} : memref<128xi32, #tpu.memory_space<vmem>>, vector<16xi32>,
      %add3A_52 = arith.constant 32 : i32
      %add3A_53 = arith.addi %min3A_36, %add3A_52 : i32
      %add3A_54 = vector.broadcast %add3A_53 : i32 to vector<16xi32>
      %add3A_55 = arith.addi %add3A_54, %iota3A : vector<16xi32>
      %swap3A_56 = arith.constant 32 : index
      %swap3A_57 = tpu.vector_load %arg8[%swap3A_56] {strides = array<i32>} : memref<128xi32, #tpu.memory_space<vmem>>, vector<16xi32>,
      %swap3A_58 = vector.shape_cast %swap3A_57 : vector<16xi32> to vector<16xi32>
      %swap3A_59 = vector.shape_cast %add3A_55 : vector<16xi32> to vector<16xi32>
      tpu.vector_store %arg8[%swap3A_56], %swap3A_59 {strides = array<i32>} : memref<128xi32, #tpu.memory_space<vmem>>, vector<16xi32>,
      %add3A_60 = arith.constant 48 : i32
      %add3A_61 = arith.addi %min3A_36, %add3A_60 : i32
      %add3A_62 = vector.broadcast %add3A_61 : i32 to vector<16xi32>
      %add3A_63 = arith.addi %add3A_62, %iota3A : vector<16xi32>
      %swap3A_64 = arith.constant 48 : index
      %swap3A_65 = tpu.vector_load %arg8[%swap3A_64] {strides = array<i32>} : memref<128xi32, #tpu.memory_space<vmem>>, vector<16xi32>,
      %swap3A_66 = vector.shape_cast %swap3A_65 : vector<16xi32> to vector<16xi32>
      %swap3A_67 = vector.shape_cast %add3A_63 : vector<16xi32> to vector<16xi32>
      tpu.vector_store %arg8[%swap3A_64], %swap3A_67 {strides = array<i32>} : memref<128xi32, #tpu.memory_space<vmem>>, vector<16xi32>,
      %add3A_68 = arith.constant 64 : i32
      %add3A_69 = arith.addi %min3A_36, %add3A_68 : i32
      %add3A_70 = vector.broadcast %add3A_69 : i32 to vector<16xi32>
      %add3A_71 = arith.addi %add3A_70, %iota3A : vector<16xi32>
      %swap3A_72 = arith.constant 64 : index
      %swap3A_73 = tpu.vector_load %arg8[%swap3A_72] {strides = array<i32>} : memref<128xi32, #tpu.memory_space<vmem>>, vector<16xi32>,
      %swap3A_74 = vector.shape_cast %swap3A_73 : vector<16xi32> to vector<16xi32>
      %swap3A_75 = vector.shape_cast %add3A_71 : vector<16xi32> to vector<16xi32>
      tpu.vector_store %arg8[%swap3A_72], %swap3A_75 {strides = array<i32>} : memref<128xi32, #tpu.memory_space<vmem>>, vector<16xi32>,
      %add3A_76 = arith.constant 80 : i32
      %add3A_77 = arith.addi %min3A_36, %add3A_76 : i32
      %add3A_78 = vector.broadcast %add3A_77 : i32 to vector<16xi32>
      %add3A_79 = arith.addi %add3A_78, %iota3A : vector<16xi32>
      %swap3A_80 = arith.constant 80 : index
      %swap3A_81 = tpu.vector_load %arg8[%swap3A_80] {strides = array<i32>} : memref<128xi32, #tpu.memory_space<vmem>>, vector<16xi32>,
      %swap3A_82 = vector.shape_cast %swap3A_81 : vector<16xi32> to vector<16xi32>
      %swap3A_83 = vector.shape_cast %add3A_79 : vector<16xi32> to vector<16xi32>
      tpu.vector_store %arg8[%swap3A_80], %swap3A_83 {strides = array<i32>} : memref<128xi32, #tpu.memory_space<vmem>>, vector<16xi32>,
      %add3A_84 = arith.constant 96 : i32
      %add3A_85 = arith.addi %min3A_36, %add3A_84 : i32
      %add3A_86 = vector.broadcast %add3A_85 : i32 to vector<16xi32>
      %add3A_87 = arith.addi %add3A_86, %iota3A : vector<16xi32>
      %swap3A_88 = arith.constant 96 : index
      %swap3A_89 = tpu.vector_load %arg8[%swap3A_88] {strides = array<i32>} : memref<128xi32, #tpu.memory_space<vmem>>, vector<16xi32>,
      %swap3A_90 = vector.shape_cast %swap3A_89 : vector<16xi32> to vector<16xi32>
      %swap3A_91 = vector.shape_cast %add3A_87 : vector<16xi32> to vector<16xi32>
      tpu.vector_store %arg8[%swap3A_88], %swap3A_91 {strides = array<i32>} : memref<128xi32, #tpu.memory_space<vmem>>, vector<16xi32>,
      %add3A_92 = arith.constant 112 : i32
      %add3A_93 = arith.addi %min3A_36, %add3A_92 : i32
      %add3A_94 = vector.broadcast %add3A_93 : i32 to vector<16xi32>
      %add3A_95 = arith.addi %add3A_94, %iota3A : vector<16xi32>
      %swap3A_96 = arith.constant 112 : index
      %swap3A_97 = tpu.vector_load %arg8[%swap3A_96] {strides = array<i32>} : memref<128xi32, #tpu.memory_space<vmem>>, vector<16xi32>,
      %swap3A_98 = vector.shape_cast %swap3A_97 : vector<16xi32> to vector<16xi32>
      %swap3A_99 = vector.shape_cast %add3A_95 : vector<16xi32> to vector<16xi32>
      tpu.vector_store %arg8[%swap3A_96], %swap3A_99 {strides = array<i32>} : memref<128xi32, #tpu.memory_space<vmem>>, vector<16xi32>,
      "tpu.region"() ({
        %run_scoped3A = tpu.sem_alloc : memref<!tpu.dma_semaphore, #tpu.memory_space<semaphore_mem>>
        %dma_start3A = arith.constant 0 : i32
        %dma_start3A_100 = arith.constant 0 : i32
        %dma_start3A_101 = tpu.memref_slice %arg13[%dma_start3A, %dma_start3A_100] : memref<10000x128xf32, #tpu.memory_space<vmem_shared>> -> memref<10000x128xf32, #tpu.memory_space<vmem_shared>>
        tpu.enqueue_indirect_dma source(%arg10 : memref<128x128xf32, #tpu.memory_space<vmem>>) target(%dma_start3A_101 : memref<10000x128xf32, #tpu.memory_space<vmem_shared>>) offsets(%arg8 : memref<128xi32, #tpu.memory_space<vmem>>) semaphore(%run_scoped3A : memref<!tpu.dma_semaphore, #tpu.memory_space<semaphore_mem>>)
        %dma_wait3A = arith.constant 0 : i32
        %dma_wait3A_102 = arith.constant 0 : i32
        %dma_wait3A_103 = tpu.memref_slice %arg13[%dma_wait3A, %dma_wait3A_102] : memref<10000x128xf32, #tpu.memory_space<vmem_shared>> -> memref<10000x128xf32, #tpu.memory_space<vmem_shared>>
        tpu.wait_indirect_dma semaphore(%run_scoped3A : memref<!tpu.dma_semaphore, #tpu.memory_space<semaphore_mem>>) src(%arg10 : memref<128x128xf32, #tpu.memory_space<vmem>>) dst(%dma_wait3A_103 : memref<10000x128xf32, #tpu.memory_space<vmem_shared>>)
        tpu.yield
      }) : () -> ()
    }
    %scan3A_14 = arith.constant 5 : i32
    %barrier3A = arith.constant 0 : index
    tpu.barrier barrier_id(%barrier3A)
    %eq3A = arith.constant 0 : i32
    %eq3A_15 = arith.cmpi eq, %arg0, %eq3A : i32
    %convert_element_type3A = arith.extui %eq3A_15 : i1 to i32
    %cond3A = arith.constant 0 : i32
    %cond3A_16 = arith.cmpi ne, %convert_element_type3A, %cond3A : i32
    scf.if %cond3A_16 {
      %scan3A_28 = arith.constant 0 : i32
      %scan3A_29 = arith.constant 157 : i32
      %scan3A_30 = arith.addi %scan3A_28, %scan3A_29 : i32
      %scan3A_31 = arith.constant 1 : i32
      scf.for %scan3A_33 = %scan3A_28 to %scan3A_30 step %scan3A_31  : i32 {
        %mul3A = arith.constant 1 : i32
        %mul3A_34 = arith.muli %scan3A_33, %mul3A : i32
        %add3A = arith.constant 0 : i32
        %add3A_35 = arith.addi %add3A, %mul3A_34 : i32
        %mul3A_36 = arith.constant 20096 : i32
        %mul3A_37 = arith.muli %arg1, %mul3A_36 : i32
        %mul3A_38 = arith.constant 128 : i32
        %mul3A_39 = arith.muli %add3A_35, %mul3A_38 : i32
        %add3A_40 = arith.addi %mul3A_37, %mul3A_39 : i32
        "tpu.region"() ({
          %run_scoped3A = tpu.sem_alloc : memref<!tpu.dma_semaphore, #tpu.memory_space<semaphore_mem>>
          %dma_start3A_90 = tpu.memref_slice %arg3[%add3A_40] : memref<321536xi32, #tpu.memory_space<hbm>> -> memref<128xi32, #tpu.memory_space<hbm>>
          %dma_start3A_91 = tpu.memref_slice %arg3[%add3A_40] : memref<321536xi32, #tpu.memory_space<hbm>> -> memref<128xi32, #tpu.memory_space<hbm>>
          tpu.enqueue_dma source(%dma_start3A_91 : memref<128xi32, #tpu.memory_space<hbm>>) target(%arg8 : memref<128xi32, #tpu.memory_space<vmem>>) target_semaphore(%run_scoped3A : memref<!tpu.dma_semaphore, #tpu.memory_space<semaphore_mem>>)
          %dma_wait3A_92 = tpu.memref_slice %arg3[%add3A_40] : memref<321536xi32, #tpu.memory_space<hbm>> -> memref<128xi32, #tpu.memory_space<hbm>>
          %dma_wait3A_93 = tpu.memref_slice %arg3[%add3A_40] : memref<321536xi32, #tpu.memory_space<hbm>> -> memref<128xi32, #tpu.memory_space<hbm>>
          tpu.wait_dma2 semaphore(%run_scoped3A : memref<!tpu.dma_semaphore, #tpu.memory_space<semaphore_mem>>) src(%dma_wait3A_93 : memref<128xi32, #tpu.memory_space<hbm>>) dst(%arg8 : memref<128xi32, #tpu.memory_space<vmem>>)
          tpu.yield
        }) : () -> ()
        %dma_start3A = arith.constant 0 : i32
        %dma_start3A_41 = arith.constant 0 : i32
        %dma_start3A_42 = tpu.memref_slice %arg2[%dma_start3A, %dma_start3A_41] : memref<10008x128xf32, #tpu.memory_space<hbm>> -> memref<10008x128xf32, #tpu.memory_space<hbm>>
        tpu.enqueue_indirect_dma source(%dma_start3A_42 : memref<10008x128xf32, #tpu.memory_space<hbm>>) target(%arg10 : memref<128x128xf32, #tpu.memory_space<vmem>>) offsets(%arg8 : memref<128xi32, #tpu.memory_space<vmem>>) semaphore(%arg14 : memref<!tpu.dma_semaphore, #tpu.memory_space<semaphore_mem>>)
        %mul3A_43 = arith.constant 314 : i32
        %mul3A_44 = arith.muli %arg1, %mul3A_43 : i32
        %mul3A_45 = arith.constant 2 : i32
        %mul3A_46 = arith.muli %add3A_35, %mul3A_45 : i32
        %add3A_47 = arith.addi %mul3A_44, %mul3A_46 : i32
        "tpu.region"() ({
          %run_scoped3A = tpu.sem_alloc : memref<!tpu.dma_semaphore, #tpu.memory_space<semaphore_mem>>
          %dma_start3A_90 = arith.constant 0 : i32
          %dma_start3A_91 = tpu.memref_slice %arg4[%add3A_47, %dma_start3A_90] : memref<5024x64xi32, #tpu.memory_space<hbm>> -> memref<2x64xi32, #tpu.memory_space<hbm>>
          %dma_start3A_92 = arith.constant 0 : i32
          %dma_start3A_93 = tpu.memref_slice %arg4[%add3A_47, %dma_start3A_92] : memref<5024x64xi32, #tpu.memory_space<hbm>> -> memref<2x64xi32, #tpu.memory_space<hbm>>
          tpu.enqueue_dma source(%dma_start3A_93 : memref<2x64xi32, #tpu.memory_space<hbm>>) target(%arg9 : memref<2x64xi32, #tpu.memory_space<vmem>>) target_semaphore(%run_scoped3A : memref<!tpu.dma_semaphore, #tpu.memory_space<semaphore_mem>>)
          %dma_wait3A_94 = arith.constant 0 : i32
          %dma_wait3A_95 = tpu.memref_slice %arg4[%add3A_47, %dma_wait3A_94] : memref<5024x64xi32, #tpu.memory_space<hbm>> -> memref<2x64xi32, #tpu.memory_space<hbm>>
          %dma_wait3A_96 = arith.constant 0 : i32
          %dma_wait3A_97 = tpu.memref_slice %arg4[%add3A_47, %dma_wait3A_96] : memref<5024x64xi32, #tpu.memory_space<hbm>> -> memref<2x64xi32, #tpu.memory_space<hbm>>
          tpu.wait_dma2 semaphore(%run_scoped3A : memref<!tpu.dma_semaphore, #tpu.memory_space<semaphore_mem>>) src(%dma_wait3A_97 : memref<2x64xi32, #tpu.memory_space<hbm>>) dst(%arg9 : memref<2x64xi32, #tpu.memory_space<vmem>>)
          tpu.yield
        }) : () -> ()
        %dma_wait3A = arith.constant 0 : i32
        %dma_wait3A_48 = arith.constant 0 : i32
        %dma_wait3A_49 = tpu.memref_slice %arg2[%dma_wait3A, %dma_wait3A_48] : memref<10008x128xf32, #tpu.memory_space<hbm>> -> memref<10008x128xf32, #tpu.memory_space<hbm>>
        tpu.wait_indirect_dma semaphore(%arg14 : memref<!tpu.dma_semaphore, #tpu.memory_space<semaphore_mem>>) src(%dma_wait3A_49 : memref<10008x128xf32, #tpu.memory_space<hbm>>) dst(%arg10 : memref<128x128xf32, #tpu.memory_space<vmem>>)
        %dma_start3A_50 = arith.constant 0 : i32
        %dma_start3A_51 = arith.constant 0 : i32
        %dma_start3A_52 = arith.constant 0 : i32
        %dma_start3A_53 = tpu.memref_slice %arg10[%dma_start3A_51, %dma_start3A_52] : memref<128x128xf32, #tpu.memory_space<vmem>> -> memref<64x128xf32, #tpu.memory_space<vmem>>
        %dma_start3A_54 = arith.constant 0 : i32
        %dma_start3A_55 = tpu.memref_slice %arg9[%dma_start3A_50, %dma_start3A_54] : memref<2x64xi32, #tpu.memory_space<vmem>> -> memref<1x64xi32, #tpu.memory_space<vmem>>
        %dma_start3A_56 = tpu.memref_squeeze %dma_start3A_55 : memref<1x64xi32, #tpu.memory_space<vmem>> -> memref<64xi32, #tpu.memory_space<vmem>>
        %dma_start3A_57 = arith.constant 0 : i32
        %dma_start3A_58 = arith.constant 0 : i32
        %dma_start3A_59 = tpu.memref_slice %arg13[%dma_start3A_57, %dma_start3A_58] : memref<10000x128xf32, #tpu.memory_space<vmem_shared>> -> memref<10000x128xf32, #tpu.memory_space<vmem_shared>>
        tpu.enqueue_indirect_dma source(%dma_start3A_53 : memref<64x128xf32, #tpu.memory_space<vmem>>) target(%dma_start3A_59 : memref<10000x128xf32, #tpu.memory_space<vmem_shared>>) offsets(%dma_start3A_56 : memref<64xi32, #tpu.memory_space<vmem>>) semaphore(%arg15 : memref<!tpu.dma_semaphore, #tpu.memory_space<semaphore_mem>>) {add = true}
        %dma_start3A_60 = arith.constant 1 : i32
        %dma_start3A_61 = arith.constant 64 : i32
        %dma_start3A_62 = arith.constant 0 : i32
        %dma_start3A_63 = tpu.memref_slice %arg10[%dma_start3A_61, %dma_start3A_62] : memref<128x128xf32, #tpu.memory_space<vmem>> -> memref<64x128xf32, #tpu.memory_space<vmem>>
        %dma_start3A_64 = arith.constant 0 : i32
        %dma_start3A_65 = tpu.memref_slice %arg9[%dma_start3A_60, %dma_start3A_64] : memref<2x64xi32, #tpu.memory_space<vmem>> -> memref<1x64xi32, #tpu.memory_space<vmem>>
        %dma_start3A_66 = tpu.memref_squeeze %dma_start3A_65 : memref<1x64xi32, #tpu.memory_space<vmem>> -> memref<64xi32, #tpu.memory_space<vmem>>
        %dma_start3A_67 = arith.constant 0 : i32
        %dma_start3A_68 = arith.constant 0 : i32
        %dma_start3A_69 = tpu.memref_slice %arg13[%dma_start3A_67, %dma_start3A_68] : memref<10000x128xf32, #tpu.memory_space<vmem_shared>> -> memref<10000x128xf32, #tpu.memory_space<vmem_shared>>
        tpu.enqueue_indirect_dma source(%dma_start3A_63 : memref<64x128xf32, #tpu.memory_space<vmem>>) target(%dma_start3A_69 : memref<10000x128xf32, #tpu.memory_space<vmem_shared>>) offsets(%dma_start3A_66 : memref<64xi32, #tpu.memory_space<vmem>>) semaphore(%arg15 : memref<!tpu.dma_semaphore, #tpu.memory_space<semaphore_mem>>) {add = true}
        %dma_wait3A_70 = arith.constant 0 : i32
        %dma_wait3A_71 = arith.constant 0 : i32
        %dma_wait3A_72 = arith.constant 0 : i32
        %dma_wait3A_73 = tpu.memref_slice %arg10[%dma_wait3A_71, %dma_wait3A_72] : memref<128x128xf32, #tpu.memory_space<vmem>> -> memref<64x128xf32, #tpu.memory_space<vmem>>
        %dma_wait3A_74 = arith.constant 0 : i32
        %dma_wait3A_75 = tpu.memref_slice %arg9[%dma_wait3A_70, %dma_wait3A_74] : memref<2x64xi32, #tpu.memory_space<vmem>> -> memref<1x64xi32, #tpu.memory_space<vmem>>
        %dma_wait3A_76 = tpu.memref_squeeze %dma_wait3A_75 : memref<1x64xi32, #tpu.memory_space<vmem>> -> memref<64xi32, #tpu.memory_space<vmem>>
        %dma_wait3A_77 = arith.constant 0 : i32
        %dma_wait3A_78 = arith.constant 0 : i32
        %dma_wait3A_79 = tpu.memref_slice %arg13[%dma_wait3A_77, %dma_wait3A_78] : memref<10000x128xf32, #tpu.memory_space<vmem_shared>> -> memref<10000x128xf32, #tpu.memory_space<vmem_shared>>
        tpu.wait_indirect_dma semaphore(%arg15 : memref<!tpu.dma_semaphore, #tpu.memory_space<semaphore_mem>>) src(%dma_wait3A_73 : memref<64x128xf32, #tpu.memory_space<vmem>>) dst(%dma_wait3A_79 : memref<10000x128xf32, #tpu.memory_space<vmem_shared>>)
        %dma_wait3A_80 = arith.constant 1 : i32
        %dma_wait3A_81 = arith.constant 64 : i32
        %dma_wait3A_82 = arith.constant 0 : i32
        %dma_wait3A_83 = tpu.memref_slice %arg10[%dma_wait3A_81, %dma_wait3A_82] : memref<128x128xf32, #tpu.memory_space<vmem>> -> memref<64x128xf32, #tpu.memory_space<vmem>>
        %dma_wait3A_84 = arith.constant 0 : i32
        %dma_wait3A_85 = tpu.memref_slice %arg9[%dma_wait3A_80, %dma_wait3A_84] : memref<2x64xi32, #tpu.memory_space<vmem>> -> memref<1x64xi32, #tpu.memory_space<vmem>>
        %dma_wait3A_86 = tpu.memref_squeeze %dma_wait3A_85 : memref<1x64xi32, #tpu.memory_space<vmem>> -> memref<64xi32, #tpu.memory_space<vmem>>
        %dma_wait3A_87 = arith.constant 0 : i32
        %dma_wait3A_88 = arith.constant 0 : i32
        %dma_wait3A_89 = tpu.memref_slice %arg13[%dma_wait3A_87, %dma_wait3A_88] : memref<10000x128xf32, #tpu.memory_space<vmem_shared>> -> memref<10000x128xf32, #tpu.memory_space<vmem_shared>>
        tpu.wait_indirect_dma semaphore(%arg15 : memref<!tpu.dma_semaphore, #tpu.memory_space<semaphore_mem>>) src(%dma_wait3A_83 : memref<64x128xf32, #tpu.memory_space<vmem>>) dst(%dma_wait3A_89 : memref<10000x128xf32, #tpu.memory_space<vmem_shared>>)
      }
      %scan3A_32 = arith.constant 157 : i32
    } else {
    }
    %eq3A_17 = arith.constant 1 : i32
    %eq3A_18 = arith.cmpi eq, %arg0, %eq3A_17 : i32
    %convert_element_type3A_19 = arith.extui %eq3A_18 : i1 to i32
    %cond3A_20 = arith.constant 0 : i32
    %cond3A_21 = arith.cmpi ne, %convert_element_type3A_19, %cond3A_20 : i32
    scf.if %cond3A_21 {
      %scan3A_28 = arith.constant 0 : i32
      %scan3A_29 = arith.constant 157 : i32
      %scan3A_30 = arith.addi %scan3A_28, %scan3A_29 : i32
      %scan3A_31 = arith.constant 1 : i32
      scf.for %scan3A_33 = %scan3A_28 to %scan3A_30 step %scan3A_31  : i32 {
        %mul3A = arith.constant 1 : i32
        %mul3A_34 = arith.muli %scan3A_33, %mul3A : i32
        %add3A = arith.constant 0 : i32
        %add3A_35 = arith.addi %add3A, %mul3A_34 : i32
        %mul3A_36 = arith.constant 20096 : i32
        %mul3A_37 = arith.muli %arg1, %mul3A_36 : i32
        %mul3A_38 = arith.constant 128 : i32
        %mul3A_39 = arith.muli %add3A_35, %mul3A_38 : i32
        %add3A_40 = arith.addi %mul3A_37, %mul3A_39 : i32
        %mul3A_41 = arith.constant 314 : i32
        %mul3A_42 = arith.muli %arg1, %mul3A_41 : i32
        %mul3A_43 = arith.constant 2 : i32
        %mul3A_44 = arith.muli %add3A_35, %mul3A_43 : i32
        %add3A_45 = arith.addi %mul3A_42, %mul3A_44 : i32
        "tpu.region"() ({
          %run_scoped3A_70 = tpu.sem_alloc : memref<!tpu.dma_semaphore, #tpu.memory_space<semaphore_mem>>
          %dma_start3A_71 = arith.constant 0 : i32
          %dma_start3A_72 = tpu.memref_slice %arg4[%add3A_45, %dma_start3A_71] : memref<5024x64xi32, #tpu.memory_space<hbm>> -> memref<2x64xi32, #tpu.memory_space<hbm>>
          %dma_start3A_73 = arith.constant 0 : i32
          %dma_start3A_74 = tpu.memref_slice %arg4[%add3A_45, %dma_start3A_73] : memref<5024x64xi32, #tpu.memory_space<hbm>> -> memref<2x64xi32, #tpu.memory_space<hbm>>
          tpu.enqueue_dma source(%dma_start3A_74 : memref<2x64xi32, #tpu.memory_space<hbm>>) target(%arg9 : memref<2x64xi32, #tpu.memory_space<vmem>>) target_semaphore(%run_scoped3A_70 : memref<!tpu.dma_semaphore, #tpu.memory_space<semaphore_mem>>)
          %dma_wait3A_75 = arith.constant 0 : i32
          %dma_wait3A_76 = tpu.memref_slice %arg4[%add3A_45, %dma_wait3A_75] : memref<5024x64xi32, #tpu.memory_space<hbm>> -> memref<2x64xi32, #tpu.memory_space<hbm>>
          %dma_wait3A_77 = arith.constant 0 : i32
          %dma_wait3A_78 = tpu.memref_slice %arg4[%add3A_45, %dma_wait3A_77] : memref<5024x64xi32, #tpu.memory_space<hbm>> -> memref<2x64xi32, #tpu.memory_space<hbm>>
          tpu.wait_dma2 semaphore(%run_scoped3A_70 : memref<!tpu.dma_semaphore, #tpu.memory_space<semaphore_mem>>) src(%dma_wait3A_78 : memref<2x64xi32, #tpu.memory_space<hbm>>) dst(%arg9 : memref<2x64xi32, #tpu.memory_space<vmem>>)
          tpu.yield
        }) : () -> ()
        "tpu.region"() ({
          %run_scoped3A_70 = tpu.sem_alloc : memref<!tpu.dma_semaphore, #tpu.memory_space<semaphore_mem>>
          %dma_start3A_71 = arith.constant 0 : i32
          %dma_start3A_72 = tpu.memref_slice %arg5[%add3A_40, %dma_start3A_71] : memref<321536x16xf32, #tpu.memory_space<hbm>> -> memref<64x16xf32, #tpu.memory_space<hbm>>
          %dma_start3A_73 = arith.constant 0 : i32
          %dma_start3A_74 = tpu.memref_slice %arg5[%add3A_40, %dma_start3A_73] : memref<321536x16xf32, #tpu.memory_space<hbm>> -> memref<64x16xf32, #tpu.memory_space<hbm>>
          tpu.enqueue_dma source(%dma_start3A_74 : memref<64x16xf32, #tpu.memory_space<hbm>>) target(%arg11 : memref<64x16xf32, #tpu.memory_space<vmem>>) target_semaphore(%run_scoped3A_70 : memref<!tpu.dma_semaphore, #tpu.memory_space<semaphore_mem>>)
          %dma_wait3A_75 = arith.constant 0 : i32
          %dma_wait3A_76 = tpu.memref_slice %arg5[%add3A_40, %dma_wait3A_75] : memref<321536x16xf32, #tpu.memory_space<hbm>> -> memref<64x16xf32, #tpu.memory_space<hbm>>
          %dma_wait3A_77 = arith.constant 0 : i32
          %dma_wait3A_78 = tpu.memref_slice %arg5[%add3A_40, %dma_wait3A_77] : memref<321536x16xf32, #tpu.memory_space<hbm>> -> memref<64x16xf32, #tpu.memory_space<hbm>>
          tpu.wait_dma2 semaphore(%run_scoped3A_70 : memref<!tpu.dma_semaphore, #tpu.memory_space<semaphore_mem>>) src(%dma_wait3A_78 : memref<64x16xf32, #tpu.memory_space<hbm>>) dst(%arg11 : memref<64x16xf32, #tpu.memory_space<vmem>>)
          tpu.yield
        }) : () -> ()
        %scan3A_46 = arith.constant 0 : i32
        %scan3A_47 = arith.constant 64 : i32
        %scan3A_48 = arith.addi %scan3A_46, %scan3A_47 : i32
        %scan3A_49 = arith.constant 1 : i32
        scf.for %scan3A_70 = %scan3A_46 to %scan3A_48 step %scan3A_49  : i32 {
          %mul3A_71 = arith.constant 1 : i32
          %mul3A_72 = arith.muli %scan3A_70, %mul3A_71 : i32
          %add3A_73 = arith.constant 0 : i32
          %add3A_74 = arith.addi %add3A_73, %mul3A_72 : i32
          %get3A = arith.index_cast %add3A_74 : i32 to index
          %get3A_75 = arith.constant 0 : index
          %get3A_76 = tpu.vector_load %arg11[%get3A, %get3A_75] {strides = array<i32>} : memref<64x16xf32, #tpu.memory_space<vmem>>, vector<1x16xf32>,
          %get3A_77 = vector.shape_cast %get3A_76 : vector<1x16xf32> to vector<16xf32>
          %swap3A = arith.index_cast %add3A_74 : i32 to index
          %swap3A_78 = arith.constant 0 : index
          %swap3A_79 = tpu.vector_load %arg12[%swap3A, %swap3A_78] {strides = array<i32>} : memref<64x128xf32, #tpu.memory_space<vmem>>, vector<1x16xf32>,
          %swap3A_80 = vector.shape_cast %swap3A_79 : vector<1x16xf32> to vector<16xf32>
          %swap3A_81 = vector.shape_cast %get3A_77 : vector<16xf32> to vector<1x16xf32>
          tpu.vector_store %arg12[%swap3A, %swap3A_78], %swap3A_81 {strides = array<i32>} : memref<64x128xf32, #tpu.memory_space<vmem>>, vector<1x16xf32>,
        }
        %scan3A_50 = arith.constant 64 : i32
        %dma_start3A = arith.constant 0 : i32
        %dma_start3A_51 = arith.constant 0 : i32
        %dma_start3A_52 = tpu.memref_slice %arg9[%dma_start3A, %dma_start3A_51] : memref<2x64xi32, #tpu.memory_space<vmem>> -> memref<1x64xi32, #tpu.memory_space<vmem>>
        %dma_start3A_53 = tpu.memref_squeeze %dma_start3A_52 : memref<1x64xi32, #tpu.memory_space<vmem>> -> memref<64xi32, #tpu.memory_space<vmem>>
        %dma_start3A_54 = arith.constant 0 : i32
        %dma_start3A_55 = arith.constant 0 : i32
        %dma_start3A_56 = tpu.memref_slice %arg13[%dma_start3A_54, %dma_start3A_55] : memref<10000x128xf32, #tpu.memory_space<vmem_shared>> -> memref<10000x128xf32, #tpu.memory_space<vmem_shared>>
        tpu.enqueue_indirect_dma source(%arg12 : memref<64x128xf32, #tpu.memory_space<vmem>>) target(%dma_start3A_56 : memref<10000x128xf32, #tpu.memory_space<vmem_shared>>) offsets(%dma_start3A_53 : memref<64xi32, #tpu.memory_space<vmem>>) semaphore(%arg15 : memref<!tpu.dma_semaphore, #tpu.memory_space<semaphore_mem>>) {add = true}
        %add3A_57 = arith.constant 64 : i32
        %add3A_58 = arith.addi %add3A_40, %add3A_57 : i32
        "tpu.region"() ({
          %run_scoped3A_70 = tpu.sem_alloc : memref<!tpu.dma_semaphore, #tpu.memory_space<semaphore_mem>>
          %dma_start3A_71 = arith.constant 0 : i32
          %dma_start3A_72 = tpu.memref_slice %arg5[%add3A_58, %dma_start3A_71] : memref<321536x16xf32, #tpu.memory_space<hbm>> -> memref<64x16xf32, #tpu.memory_space<hbm>>
          %dma_start3A_73 = arith.constant 0 : i32
          %dma_start3A_74 = tpu.memref_slice %arg5[%add3A_58, %dma_start3A_73] : memref<321536x16xf32, #tpu.memory_space<hbm>> -> memref<64x16xf32, #tpu.memory_space<hbm>>
          tpu.enqueue_dma source(%dma_start3A_74 : memref<64x16xf32, #tpu.memory_space<hbm>>) target(%arg11 : memref<64x16xf32, #tpu.memory_space<vmem>>) target_semaphore(%run_scoped3A_70 : memref<!tpu.dma_semaphore, #tpu.memory_space<semaphore_mem>>)
          %dma_wait3A_75 = arith.constant 0 : i32
          %dma_wait3A_76 = tpu.memref_slice %arg5[%add3A_58, %dma_wait3A_75] : memref<321536x16xf32, #tpu.memory_space<hbm>> -> memref<64x16xf32, #tpu.memory_space<hbm>>
          %dma_wait3A_77 = arith.constant 0 : i32
          %dma_wait3A_78 = tpu.memref_slice %arg5[%add3A_58, %dma_wait3A_77] : memref<321536x16xf32, #tpu.memory_space<hbm>> -> memref<64x16xf32, #tpu.memory_space<hbm>>
          tpu.wait_dma2 semaphore(%run_scoped3A_70 : memref<!tpu.dma_semaphore, #tpu.memory_space<semaphore_mem>>) src(%dma_wait3A_78 : memref<64x16xf32, #tpu.memory_space<hbm>>) dst(%arg11 : memref<64x16xf32, #tpu.memory_space<vmem>>)
          tpu.yield
        }) : () -> ()
        %dma_wait3A = arith.constant 0 : i32
        %dma_wait3A_59 = arith.constant 0 : i32
        %dma_wait3A_60 = tpu.memref_slice %arg9[%dma_wait3A, %dma_wait3A_59] : memref<2x64xi32, #tpu.memory_space<vmem>> -> memref<1x64xi32, #tpu.memory_space<vmem>>
        %dma_wait3A_61 = tpu.memref_squeeze %dma_wait3A_60 : memref<1x64xi32, #tpu.memory_space<vmem>> -> memref<64xi32, #tpu.memory_space<vmem>>
        %dma_wait3A_62 = arith.constant 0 : i32
        %dma_wait3A_63 = arith.constant 0 : i32
        %dma_wait3A_64 = tpu.memref_slice %arg13[%dma_wait3A_62, %dma_wait3A_63] : memref<10000x128xf32, #tpu.memory_space<vmem_shared>> -> memref<10000x128xf32, #tpu.memory_space<vmem_shared>>
        tpu.wait_indirect_dma semaphore(%arg15 : memref<!tpu.dma_semaphore, #tpu.memory_space<semaphore_mem>>) src(%arg12 : memref<64x128xf32, #tpu.memory_space<vmem>>) dst(%dma_wait3A_64 : memref<10000x128xf32, #tpu.memory_space<vmem_shared>>)
        %scan3A_65 = arith.constant 0 : i32
        %scan3A_66 = arith.constant 64 : i32
        %scan3A_67 = arith.addi %scan3A_65, %scan3A_66 : i32
        %scan3A_68 = arith.constant 1 : i32
        scf.for %scan3A_70 = %scan3A_65 to %scan3A_67 step %scan3A_68  : i32 {
          %mul3A_71 = arith.constant 1 : i32
          %mul3A_72 = arith.muli %scan3A_70, %mul3A_71 : i32
          %add3A_73 = arith.constant 0 : i32
          %add3A_74 = arith.addi %add3A_73, %mul3A_72 : i32
          %get3A = arith.index_cast %add3A_74 : i32 to index
          %get3A_75 = arith.constant 0 : index
          %get3A_76 = tpu.vector_load %arg11[%get3A, %get3A_75] {strides = array<i32>} : memref<64x16xf32, #tpu.memory_space<vmem>>, vector<1x16xf32>,
          %get3A_77 = vector.shape_cast %get3A_76 : vector<1x16xf32> to vector<16xf32>
          %swap3A = arith.index_cast %add3A_74 : i32 to index
          %swap3A_78 = arith.constant 0 : index
          %swap3A_79 = tpu.vector_load %arg12[%swap3A, %swap3A_78] {strides = array<i32>} : memref<64x128xf32, #tpu.memory_space<vmem>>, vector<1x16xf32>,
          %swap3A_80 = vector.shape_cast %swap3A_79 : vector<1x16xf32> to vector<16xf32>
          %swap3A_81 = vector.shape_cast %get3A_77 : vector<16xf32> to vector<1x16xf32>
          tpu.vector_store %arg12[%swap3A, %swap3A_78], %swap3A_81 {strides = array<i32>} : memref<64x128xf32, #tpu.memory_space<vmem>>, vector<1x16xf32>,
        }
        %scan3A_69 = arith.constant 64 : i32
        %run_scoped3A = arith.constant 1 : i32
        "tpu.region"() ({
          %run_scoped3A_70 = tpu.sem_alloc : memref<!tpu.dma_semaphore, #tpu.memory_space<semaphore_mem>>
          %dma_start3A_71 = arith.constant 0 : i32
          %dma_start3A_72 = tpu.memref_slice %arg9[%run_scoped3A, %dma_start3A_71] : memref<2x64xi32, #tpu.memory_space<vmem>> -> memref<1x64xi32, #tpu.memory_space<vmem>>
          %dma_start3A_73 = tpu.memref_squeeze %dma_start3A_72 : memref<1x64xi32, #tpu.memory_space<vmem>> -> memref<64xi32, #tpu.memory_space<vmem>>
          %dma_start3A_74 = arith.constant 0 : i32
          %dma_start3A_75 = arith.constant 0 : i32
          %dma_start3A_76 = tpu.memref_slice %arg13[%dma_start3A_74, %dma_start3A_75] : memref<10000x128xf32, #tpu.memory_space<vmem_shared>> -> memref<10000x128xf32, #tpu.memory_space<vmem_shared>>
          tpu.enqueue_indirect_dma source(%arg12 : memref<64x128xf32, #tpu.memory_space<vmem>>) target(%dma_start3A_76 : memref<10000x128xf32, #tpu.memory_space<vmem_shared>>) offsets(%dma_start3A_73 : memref<64xi32, #tpu.memory_space<vmem>>) semaphore(%run_scoped3A_70 : memref<!tpu.dma_semaphore, #tpu.memory_space<semaphore_mem>>) {add = true}
          %dma_wait3A_77 = arith.constant 0 : i32
          %dma_wait3A_78 = tpu.memref_slice %arg9[%run_scoped3A, %dma_wait3A_77] : memref<2x64xi32, #tpu.memory_space<vmem>> -> memref<1x64xi32, #tpu.memory_space<vmem>>
          %dma_wait3A_79 = tpu.memref_squeeze %dma_wait3A_78 : memref<1x64xi32, #tpu.memory_space<vmem>> -> memref<64xi32, #tpu.memory_space<vmem>>
          %dma_wait3A_80 = arith.constant 0 : i32
          %dma_wait3A_81 = arith.constant 0 : i32
          %dma_wait3A_82 = tpu.memref_slice %arg13[%dma_wait3A_80, %dma_wait3A_81] : memref<10000x128xf32, #tpu.memory_space<vmem_shared>> -> memref<10000x128xf32, #tpu.memory_space<vmem_shared>>
          tpu.wait_indirect_dma semaphore(%run_scoped3A_70 : memref<!tpu.dma_semaphore, #tpu.memory_space<semaphore_mem>>) src(%arg12 : memref<64x128xf32, #tpu.memory_space<vmem>>) dst(%dma_wait3A_82 : memref<10000x128xf32, #tpu.memory_space<vmem_shared>>)
          tpu.yield
        }) : () -> ()
      }
      %scan3A_32 = arith.constant 157 : i32
    } else {
    }
    %barrier3A_22 = arith.constant 0 : index
    tpu.barrier barrier_id(%barrier3A_22)
    %scan3A_23 = arith.constant 0 : i32
    %scan3A_24 = arith.constant 5 : i32
    %scan3A_25 = arith.addi %scan3A_23, %scan3A_24 : i32
    %scan3A_26 = arith.constant 1 : i32
    scf.for %scan3A_28 = %scan3A_23 to %scan3A_25 step %scan3A_26  : i32 {
      %mul3A = arith.constant 1 : i32
      %mul3A_29 = arith.muli %scan3A_28, %mul3A : i32
      %add3A = arith.constant 0 : i32
      %add3A_30 = arith.addi %add3A, %mul3A_29 : i32
      %mul3A_31 = arith.constant 632 : i32
      %mul3A_32 = arith.muli %arg1, %mul3A_31 : i32
      %mul3A_33 = arith.constant 128 : i32
      %mul3A_34 = arith.muli %add3A_30, %mul3A_33 : i32
      %add3A_35 = arith.addi %mul3A_32, %mul3A_34 : i32
      %min3A = arith.constant 9872 : i32
      %min3A_36 = arith.minsi %add3A_35, %min3A : i32
      %add3A_37 = arith.constant 0 : i32
      %add3A_38 = arith.addi %min3A_36, %add3A_37 : i32
      %add3A_39 = vector.broadcast %add3A_38 : i32 to vector<16xi32>
      %add3A_40 = arith.addi %add3A_39, %iota3A : vector<16xi32>
      %swap3A = arith.constant 0 : index
      %swap3A_41 = tpu.vector_load %arg8[%swap3A] {strides = array<i32>} : memref<128xi32, #tpu.memory_space<vmem>>, vector<16xi32>,
      %swap3A_42 = vector.shape_cast %swap3A_41 : vector<16xi32> to vector<16xi32>
      %swap3A_43 = vector.shape_cast %add3A_40 : vector<16xi32> to vector<16xi32>
      tpu.vector_store %arg8[%swap3A], %swap3A_43 {strides = array<i32>} : memref<128xi32, #tpu.memory_space<vmem>>, vector<16xi32>,
      %add3A_44 = arith.constant 16 : i32
      %add3A_45 = arith.addi %min3A_36, %add3A_44 : i32
      %add3A_46 = vector.broadcast %add3A_45 : i32 to vector<16xi32>
      %add3A_47 = arith.addi %add3A_46, %iota3A : vector<16xi32>
      %swap3A_48 = arith.constant 16 : index
      %swap3A_49 = tpu.vector_load %arg8[%swap3A_48] {strides = array<i32>} : memref<128xi32, #tpu.memory_space<vmem>>, vector<16xi32>,
      %swap3A_50 = vector.shape_cast %swap3A_49 : vector<16xi32> to vector<16xi32>
      %swap3A_51 = vector.shape_cast %add3A_47 : vector<16xi32> to vector<16xi32>
      tpu.vector_store %arg8[%swap3A_48], %swap3A_51 {strides = array<i32>} : memref<128xi32, #tpu.memory_space<vmem>>, vector<16xi32>,
      %add3A_52 = arith.constant 32 : i32
      %add3A_53 = arith.addi %min3A_36, %add3A_52 : i32
      %add3A_54 = vector.broadcast %add3A_53 : i32 to vector<16xi32>
      %add3A_55 = arith.addi %add3A_54, %iota3A : vector<16xi32>
      %swap3A_56 = arith.constant 32 : index
      %swap3A_57 = tpu.vector_load %arg8[%swap3A_56] {strides = array<i32>} : memref<128xi32, #tpu.memory_space<vmem>>, vector<16xi32>,
      %swap3A_58 = vector.shape_cast %swap3A_57 : vector<16xi32> to vector<16xi32>
      %swap3A_59 = vector.shape_cast %add3A_55 : vector<16xi32> to vector<16xi32>
      tpu.vector_store %arg8[%swap3A_56], %swap3A_59 {strides = array<i32>} : memref<128xi32, #tpu.memory_space<vmem>>, vector<16xi32>,
      %add3A_60 = arith.constant 48 : i32
      %add3A_61 = arith.addi %min3A_36, %add3A_60 : i32
      %add3A_62 = vector.broadcast %add3A_61 : i32 to vector<16xi32>
      %add3A_63 = arith.addi %add3A_62, %iota3A : vector<16xi32>
      %swap3A_64 = arith.constant 48 : index
      %swap3A_65 = tpu.vector_load %arg8[%swap3A_64] {strides = array<i32>} : memref<128xi32, #tpu.memory_space<vmem>>, vector<16xi32>,
      %swap3A_66 = vector.shape_cast %swap3A_65 : vector<16xi32> to vector<16xi32>
      %swap3A_67 = vector.shape_cast %add3A_63 : vector<16xi32> to vector<16xi32>
      tpu.vector_store %arg8[%swap3A_64], %swap3A_67 {strides = array<i32>} : memref<128xi32, #tpu.memory_space<vmem>>, vector<16xi32>,
      %add3A_68 = arith.constant 64 : i32
      %add3A_69 = arith.addi %min3A_36, %add3A_68 : i32
      %add3A_70 = vector.broadcast %add3A_69 : i32 to vector<16xi32>
      %add3A_71 = arith.addi %add3A_70, %iota3A : vector<16xi32>
      %swap3A_72 = arith.constant 64 : index
      %swap3A_73 = tpu.vector_load %arg8[%swap3A_72] {strides = array<i32>} : memref<128xi32, #tpu.memory_space<vmem>>, vector<16xi32>,
      %swap3A_74 = vector.shape_cast %swap3A_73 : vector<16xi32> to vector<16xi32>
      %swap3A_75 = vector.shape_cast %add3A_71 : vector<16xi32> to vector<16xi32>
      tpu.vector_store %arg8[%swap3A_72], %swap3A_75 {strides = array<i32>} : memref<128xi32, #tpu.memory_space<vmem>>, vector<16xi32>,
      %add3A_76 = arith.constant 80 : i32
      %add3A_77 = arith.addi %min3A_36, %add3A_76 : i32
      %add3A_78 = vector.broadcast %add3A_77 : i32 to vector<16xi32>
      %add3A_79 = arith.addi %add3A_78, %iota3A : vector<16xi32>
      %swap3A_80 = arith.constant 80 : index
      %swap3A_81 = tpu.vector_load %arg8[%swap3A_80] {strides = array<i32>} : memref<128xi32, #tpu.memory_space<vmem>>, vector<16xi32>,
      %swap3A_82 = vector.shape_cast %swap3A_81 : vector<16xi32> to vector<16xi32>
      %swap3A_83 = vector.shape_cast %add3A_79 : vector<16xi32> to vector<16xi32>
      tpu.vector_store %arg8[%swap3A_80], %swap3A_83 {strides = array<i32>} : memref<128xi32, #tpu.memory_space<vmem>>, vector<16xi32>,
      %add3A_84 = arith.constant 96 : i32
      %add3A_85 = arith.addi %min3A_36, %add3A_84 : i32
      %add3A_86 = vector.broadcast %add3A_85 : i32 to vector<16xi32>
      %add3A_87 = arith.addi %add3A_86, %iota3A : vector<16xi32>
      %swap3A_88 = arith.constant 96 : index
      %swap3A_89 = tpu.vector_load %arg8[%swap3A_88] {strides = array<i32>} : memref<128xi32, #tpu.memory_space<vmem>>, vector<16xi32>,
      %swap3A_90 = vector.shape_cast %swap3A_89 : vector<16xi32> to vector<16xi32>
      %swap3A_91 = vector.shape_cast %add3A_87 : vector<16xi32> to vector<16xi32>
      tpu.vector_store %arg8[%swap3A_88], %swap3A_91 {strides = array<i32>} : memref<128xi32, #tpu.memory_space<vmem>>, vector<16xi32>,
      %add3A_92 = arith.constant 112 : i32
      %add3A_93 = arith.addi %min3A_36, %add3A_92 : i32
      %add3A_94 = vector.broadcast %add3A_93 : i32 to vector<16xi32>
      %add3A_95 = arith.addi %add3A_94, %iota3A : vector<16xi32>
      %swap3A_96 = arith.constant 112 : index
      %swap3A_97 = tpu.vector_load %arg8[%swap3A_96] {strides = array<i32>} : memref<128xi32, #tpu.memory_space<vmem>>, vector<16xi32>,
      %swap3A_98 = vector.shape_cast %swap3A_97 : vector<16xi32> to vector<16xi32>
      %swap3A_99 = vector.shape_cast %add3A_95 : vector<16xi32> to vector<16xi32>
      tpu.vector_store %arg8[%swap3A_96], %swap3A_99 {strides = array<i32>} : memref<128xi32, #tpu.memory_space<vmem>>, vector<16xi32>,
      %dma_start3A = arith.constant 0 : i32
      %dma_start3A_100 = arith.constant 0 : i32
      %dma_start3A_101 = tpu.memref_slice %arg13[%dma_start3A, %dma_start3A_100] : memref<10000x128xf32, #tpu.memory_space<vmem_shared>> -> memref<10000x128xf32, #tpu.memory_space<vmem_shared>>
      tpu.enqueue_indirect_dma source(%dma_start3A_101 : memref<10000x128xf32, #tpu.memory_space<vmem_shared>>) target(%arg10 : memref<128x128xf32, #tpu.memory_space<vmem>>) offsets(%arg8 : memref<128xi32, #tpu.memory_space<vmem>>) semaphore(%arg14 : memref<!tpu.dma_semaphore, #tpu.memory_space<semaphore_mem>>)
      %dma_wait3A = arith.constant 0 : i32
      %dma_wait3A_102 = arith.constant 0 : i32
      %dma_wait3A_103 = tpu.memref_slice %arg13[%dma_wait3A, %dma_wait3A_102] : memref<10000x128xf32, #tpu.memory_space<vmem_shared>> -> memref<10000x128xf32, #tpu.memory_space<vmem_shared>>
      tpu.wait_indirect_dma semaphore(%arg14 : memref<!tpu.dma_semaphore, #tpu.memory_space<semaphore_mem>>) src(%dma_wait3A_103 : memref<10000x128xf32, #tpu.memory_space<vmem_shared>>) dst(%arg10 : memref<128x128xf32, #tpu.memory_space<vmem>>)
      %eq3A_104 = arith.constant 0 : i32
      %eq3A_105 = arith.cmpi eq, %arg0, %eq3A_104 : i32
      %convert_element_type3A_106 = arith.extui %eq3A_105 : i1 to i32
      %cond3A_107 = arith.constant 0 : i32
      %cond3A_108 = arith.cmpi ne, %convert_element_type3A_106, %cond3A_107 : i32
      scf.if %cond3A_108 {
        "tpu.region"() ({
          %run_scoped3A = tpu.sem_alloc : memref<!tpu.dma_semaphore, #tpu.memory_space<semaphore_mem>>
          %dma_start3A_114 = arith.constant 0 : i32
          %dma_start3A_115 = tpu.memref_slice %arg6[%min3A_36, %dma_start3A_114] : memref<10000x128xf32, #tpu.memory_space<hbm>> -> memref<128x128xf32, #tpu.memory_space<hbm>>
          %dma_start3A_116 = arith.constant 0 : i32
          %dma_start3A_117 = tpu.memref_slice %arg6[%min3A_36, %dma_start3A_116] : memref<10000x128xf32, #tpu.memory_space<hbm>> -> memref<128x128xf32, #tpu.memory_space<hbm>>
          tpu.enqueue_dma source(%arg10 : memref<128x128xf32, #tpu.memory_space<vmem>>) target(%dma_start3A_117 : memref<128x128xf32, #tpu.memory_space<hbm>>) target_semaphore(%run_scoped3A : memref<!tpu.dma_semaphore, #tpu.memory_space<semaphore_mem>>)
          %dma_wait3A_118 = arith.constant 0 : i32
          %dma_wait3A_119 = tpu.memref_slice %arg6[%min3A_36, %dma_wait3A_118] : memref<10000x128xf32, #tpu.memory_space<hbm>> -> memref<128x128xf32, #tpu.memory_space<hbm>>
          %dma_wait3A_120 = arith.constant 0 : i32
          %dma_wait3A_121 = tpu.memref_slice %arg6[%min3A_36, %dma_wait3A_120] : memref<10000x128xf32, #tpu.memory_space<hbm>> -> memref<128x128xf32, #tpu.memory_space<hbm>>
          tpu.wait_dma2 semaphore(%run_scoped3A : memref<!tpu.dma_semaphore, #tpu.memory_space<semaphore_mem>>) src(%arg10 : memref<128x128xf32, #tpu.memory_space<vmem>>) dst(%dma_wait3A_121 : memref<128x128xf32, #tpu.memory_space<hbm>>)
          tpu.yield
        }) : () -> ()
      } else {
      }
      %eq3A_109 = arith.constant 1 : i32
      %eq3A_110 = arith.cmpi eq, %arg0, %eq3A_109 : i32
      %convert_element_type3A_111 = arith.extui %eq3A_110 : i1 to i32
      %cond3A_112 = arith.constant 0 : i32
      %cond3A_113 = arith.cmpi ne, %convert_element_type3A_111, %cond3A_112 : i32
      scf.if %cond3A_113 {
        "tpu.region"() ({
          %run_scoped3A = tpu.sem_alloc : memref<!tpu.dma_semaphore, #tpu.memory_space<semaphore_mem>>
          %dma_start3A_114 = arith.constant 0 : i32
          %dma_start3A_115 = tpu.memref_slice %arg7[%min3A_36, %dma_start3A_114] : memref<10000x128xf32, #tpu.memory_space<hbm>> -> memref<128x128xf32, #tpu.memory_space<hbm>>
          %dma_start3A_116 = arith.constant 0 : i32
          %dma_start3A_117 = tpu.memref_slice %arg7[%min3A_36, %dma_start3A_116] : memref<10000x128xf32, #tpu.memory_space<hbm>> -> memref<128x128xf32, #tpu.memory_space<hbm>>
          tpu.enqueue_dma source(%arg10 : memref<128x128xf32, #tpu.memory_space<vmem>>) target(%dma_start3A_117 : memref<128x128xf32, #tpu.memory_space<hbm>>) target_semaphore(%run_scoped3A : memref<!tpu.dma_semaphore, #tpu.memory_space<semaphore_mem>>)
          %dma_wait3A_118 = arith.constant 0 : i32
          %dma_wait3A_119 = tpu.memref_slice %arg7[%min3A_36, %dma_wait3A_118] : memref<10000x128xf32, #tpu.memory_space<hbm>> -> memref<128x128xf32, #tpu.memory_space<hbm>>
          %dma_wait3A_120 = arith.constant 0 : i32
          %dma_wait3A_121 = tpu.memref_slice %arg7[%min3A_36, %dma_wait3A_120] : memref<10000x128xf32, #tpu.memory_space<hbm>> -> memref<128x128xf32, #tpu.memory_space<hbm>>
          tpu.wait_dma2 semaphore(%run_scoped3A : memref<!tpu.dma_semaphore, #tpu.memory_space<semaphore_mem>>) src(%arg10 : memref<128x128xf32, #tpu.memory_space<vmem>>) dst(%dma_wait3A_121 : memref<128x128xf32, #tpu.memory_space<hbm>>)
          tpu.yield
        }) : () -> ()
      } else {
      }
    }
    %scan3A_27 = arith.constant 5 : i32
    return
  }
}

module attributes {stable_mosaic.version = 14 : i64} {
  func.func @body(%arg0: i32, %arg1: memref<1000x128xf32, #tpu.memory_space<vmem>>, %arg2: memref<1000x128xf32, #tpu.memory_space<vmem>>, %arg3: memref<1000x128xf32, #tpu.memory_space<vmem>>, %arg4: memref<1x1x1000xi32, #tpu.memory_space<vmem>>, %arg5: memref<128x128xf32, #tpu.memory_space<vmem>>, %arg6: memref<128x128xf32, #tpu.memory_space<vmem>>, %arg7: memref<1x128xf32, #tpu.memory_space<vmem>>, %arg8: memref<128x12xf32, #tpu.memory_space<vmem>>, %arg9: memref<1x12xf32, #tpu.memory_space<vmem>>, %arg10: memref<128x12xf32, #tpu.memory_space<vmem>>, %arg11: memref<128x128xf32, #tpu.memory_space<vmem>>, %arg12: memref<128x128xf32, #tpu.memory_space<vmem>>) attributes {dimension_semantics = [#tpu.dimension_semantics<arbitrary>], iteration_bounds = array<i64: 10>, scalar_prefetch = 0 : i64, scratch_operands = 2 : i64, tpu.core_type = #tpu.core_type<tc>, window_params = [{transform_indices = @transform_0, window_bounds = array<i64: 1000, 128>}, {transform_indices = @transform_1, window_bounds = array<i64: 1000, 128>}, {transform_indices = @transform_2, window_bounds = array<i64: 1000, 128>}, {transform_indices = @transform_3, window_bounds = array<i64: 1, 1, 1000>}, {pipeline_mode = #tpu.pipeline_mode<synchronous>, transform_indices = @transform_4, window_bounds = array<i64: 128, 128>}, {pipeline_mode = #tpu.pipeline_mode<synchronous>, transform_indices = @transform_5, window_bounds = array<i64: 128, 128>}, {pipeline_mode = #tpu.pipeline_mode<synchronous>, transform_indices = @transform_6, window_bounds = array<i64: 1, 128>}, {pipeline_mode = #tpu.pipeline_mode<synchronous>, transform_indices = @transform_7, window_bounds = array<i64: 128, 12>}, {pipeline_mode = #tpu.pipeline_mode<synchronous>, transform_indices = @transform_8, window_bounds = array<i64: 1, 12>}, {pipeline_mode = #tpu.pipeline_mode<synchronous>, transform_indices = @transform_9, window_bounds = array<i64: 128, 12>}]} {
    %eq3A = arith.constant 0 : i32
    %eq3A_0 = arith.cmpi eq, %arg0, %eq3A : i32
    %convert_element_type3A = arith.extui %eq3A_0 : i1 to i32
    %cond3A = arith.constant 0 : i32
    %cond3A_1 = arith.cmpi ne, %convert_element_type3A, %cond3A : i32
    scf.if %cond3A_1 {
      %broadcast_in_dim3A_59 = arith.constant 0.000000e+00 : f32
      %broadcast_in_dim3A_60 = vector.broadcast %broadcast_in_dim3A_59 : f32 to vector<128x128xf32>
      %swap3A_61 = arith.constant 0 : index
      %swap3A_62 = arith.constant 0 : index
      %swap3A_63 = vector.load %arg11[%swap3A_61, %swap3A_62] : memref<128x128xf32, #tpu.memory_space<vmem>>, vector<128x128xf32>
      tpu.vector_store %arg11[%swap3A_61, %swap3A_62], %broadcast_in_dim3A_60 {strides = array<i32>} : memref<128x128xf32, #tpu.memory_space<vmem>>, vector<128x128xf32>,
      %broadcast_in_dim3A_64 = arith.constant 0.000000e+00 : f32
      %broadcast_in_dim3A_65 = vector.broadcast %broadcast_in_dim3A_64 : f32 to vector<128x128xf32>
      %swap3A_66 = arith.constant 0 : index
      %swap3A_67 = arith.constant 0 : index
      %swap3A_68 = vector.load %arg12[%swap3A_66, %swap3A_67] : memref<128x128xf32, #tpu.memory_space<vmem>>, vector<128x128xf32>
      tpu.vector_store %arg12[%swap3A_66, %swap3A_67], %broadcast_in_dim3A_65 {strides = array<i32>} : memref<128x128xf32, #tpu.memory_space<vmem>>, vector<128x128xf32>,
    } else {
    }
    %get3A = arith.constant 0 : index
    %get3A_2 = arith.constant 0 : index
    %get3A_3 = vector.load %arg1[%get3A, %get3A_2] : memref<1000x128xf32, #tpu.memory_space<vmem>>, vector<1000x128xf32>
    %get3A_4 = arith.constant 0 : index
    %get3A_5 = arith.constant 0 : index
    %get3A_6 = vector.load %arg2[%get3A_4, %get3A_5] : memref<1000x128xf32, #tpu.memory_space<vmem>>, vector<1000x128xf32>
    %add3A = arith.addf %get3A_3, %get3A_6 : vector<1000x128xf32>
    %get3A_7 = arith.constant 0 : index
    %get3A_8 = arith.constant 0 : index
    %get3A_9 = vector.load %arg3[%get3A_7, %get3A_8] : memref<1000x128xf32, #tpu.memory_space<vmem>>, vector<1000x128xf32>
    %get3A_10 = arith.constant 0 : index
    %get3A_11 = arith.constant 0 : index
    %get3A_12 = vector.load %arg5[%get3A_10, %get3A_11] : memref<128x128xf32, #tpu.memory_space<vmem>>, vector<128x128xf32>
    %dot_general3A = arith.constant dense<0.000000e+00> : vector<1000x128xf32>
    %dot_general3A_13 = tpu.matmul %get3A_9, %get3A_12, %dot_general3A {dimension_numbers = #tpu.dot_dimension_numbers<[1], [0], [0], [1], [0, 0, 1, 1], [], []>, precision = #tpu.contract_precision<fp32>, transpose_lhs_hint = false} : vector<1000x128xf32>, vector<128x128xf32>, vector<1000x128xf32> -> vector<1000x128xf32>
    %add3A_14 = arith.addf %add3A, %dot_general3A_13 : vector<1000x128xf32>
    %get3A_15 = arith.constant 0 : index
    %get3A_16 = arith.constant 0 : index
    %get3A_17 = vector.load %arg6[%get3A_15, %get3A_16] : memref<128x128xf32, #tpu.memory_space<vmem>>, vector<128x128xf32>
    %dot_general3A_18 = arith.constant dense<0.000000e+00> : vector<1000x128xf32>
    %dot_general3A_19 = tpu.matmul %add3A_14, %get3A_17, %dot_general3A_18 {dimension_numbers = #tpu.dot_dimension_numbers<[1], [0], [0], [1], [0, 0, 1, 1], [], []>, precision = #tpu.contract_precision<fp32>, transpose_lhs_hint = false} : vector<1000x128xf32>, vector<128x128xf32>, vector<1000x128xf32> -> vector<1000x128xf32>
    %get3A_20 = arith.constant 0 : index
    %get3A_21 = arith.constant 0 : index
    %get3A_22 = vector.load %arg7[%get3A_20, %get3A_21] : memref<1x128xf32, #tpu.memory_space<vmem>>, vector<1x128xf32>
    %add3A_23 = vector.broadcast %get3A_22 : vector<1x128xf32> to vector<1000x128xf32>
    %add3A_24 = arith.addf %dot_general3A_19, %add3A_23 : vector<1000x128xf32>
    %max3A = arith.constant 0.000000e+00 : f32
    %max3A_25 = vector.broadcast %max3A : f32 to vector<1000x128xf32>
    %max3A_26 = arith.maximumf %add3A_24, %max3A_25 : vector<1000x128xf32>
    %get3A_27 = arith.constant 0 : index
    %get3A_28 = arith.constant 0 : index
    %get3A_29 = arith.constant 0 : index
    %get3A_30 = vector.load %arg4[%get3A_27, %get3A_28, %get3A_29] : memref<1x1x1000xi32, #tpu.memory_space<vmem>>, vector<1x1x1000xi32>
    %get3A_31 = vector.shape_cast %get3A_30 : vector<1x1x1000xi32> to vector<1x1000xi32>
    %iota3A = tpu.iota {dimensions = array<i32: 0>} : vector<128x1000xi32>
    %eq3A_32 = vector.broadcast %get3A_31 : vector<1x1000xi32> to vector<128x1000xi32>
    %eq3A_33 = arith.cmpi eq, %iota3A, %eq3A_32 : vector<128x1000xi32>
    %convert_element_type3A_34 = arith.extui %eq3A_33 : vector<128x1000xi1> to vector<128x1000xi32>
    %convert_element_type3A_35 = arith.sitofp %convert_element_type3A_34 : vector<128x1000xi32> to vector<128x1000xf32>
    %get3A_36 = arith.constant 0 : index
    %get3A_37 = arith.constant 0 : index
    %get3A_38 = vector.load %arg11[%get3A_36, %get3A_37] : memref<128x128xf32, #tpu.memory_space<vmem>>, vector<128x128xf32>
    %dot_general3A_39 = arith.constant dense<0.000000e+00> : vector<128x128xf32>
    %dot_general3A_40 = tpu.matmul %convert_element_type3A_35, %max3A_26, %dot_general3A_39 {dimension_numbers = #tpu.dot_dimension_numbers<[1], [0], [0], [1], [0, 0, 1, 1], [], []>, precision = #tpu.contract_precision<fp32>, transpose_lhs_hint = false} : vector<128x1000xf32>, vector<1000x128xf32>, vector<128x128xf32> -> vector<128x128xf32>
    %add3A_41 = arith.addf %get3A_38, %dot_general3A_40 : vector<128x128xf32>
    %swap3A = arith.constant 0 : index
    %swap3A_42 = arith.constant 0 : index
    %swap3A_43 = vector.load %arg11[%swap3A, %swap3A_42] : memref<128x128xf32, #tpu.memory_space<vmem>>, vector<128x128xf32>
    tpu.vector_store %arg11[%swap3A, %swap3A_42], %add3A_41 {strides = array<i32>} : memref<128x128xf32, #tpu.memory_space<vmem>>, vector<128x128xf32>,
    %get3A_44 = arith.constant 0 : index
    %get3A_45 = arith.constant 0 : index
    %get3A_46 = vector.load %arg12[%get3A_44, %get3A_45] : memref<128x128xf32, #tpu.memory_space<vmem>>, vector<128x128xf32>
    %reduce_sum3A = arith.constant dense<0.000000e+00> : vector<128xf32>
    %reduce_sum3A_47 = vector.multi_reduction <add>, %convert_element_type3A_35, %reduce_sum3A [1] : vector<128x1000xf32> to vector<128xf32>
    %broadcast_in_dim3A = vector.shape_cast %reduce_sum3A_47 : vector<128xf32> to vector<128x1xf32>
    %broadcast_in_dim3A_48 = vector.shape_cast %broadcast_in_dim3A : vector<128x1xf32> to vector<128x1xf32>
    %broadcast_in_dim3A_49 = vector.broadcast %broadcast_in_dim3A_48 : vector<128x1xf32> to vector<128x128xf32>
    %add3A_50 = arith.addf %get3A_46, %broadcast_in_dim3A_49 : vector<128x128xf32>
    %swap3A_51 = arith.constant 0 : index
    %swap3A_52 = arith.constant 0 : index
    %swap3A_53 = vector.load %arg12[%swap3A_51, %swap3A_52] : memref<128x128xf32, #tpu.memory_space<vmem>>, vector<128x128xf32>
    tpu.vector_store %arg12[%swap3A_51, %swap3A_52], %add3A_50 {strides = array<i32>} : memref<128x128xf32, #tpu.memory_space<vmem>>, vector<128x128xf32>,
    %eq3A_54 = arith.constant 9 : i32
    %eq3A_55 = arith.cmpi eq, %arg0, %eq3A_54 : i32
    %convert_element_type3A_56 = arith.extui %eq3A_55 : i1 to i32
    %cond3A_57 = arith.constant 0 : i32
    %cond3A_58 = arith.cmpi ne, %convert_element_type3A_56, %cond3A_57 : i32
    scf.if %cond3A_58 {
      %get3A_59 = arith.constant 0 : index
      %get3A_60 = arith.constant 0 : index
      %get3A_61 = vector.load %arg11[%get3A_59, %get3A_60] : memref<128x128xf32, #tpu.memory_space<vmem>>, vector<128x128xf32>
      %get3A_62 = arith.constant 0 : index
      %get3A_63 = arith.constant 0 : index
      %get3A_64 = vector.load %arg12[%get3A_62, %get3A_63] : memref<128x128xf32, #tpu.memory_space<vmem>>, vector<128x128xf32>
      %jit3A = arith.constant 1.000000e+00 : f32
      %max3A_65 = vector.broadcast %jit3A : f32 to vector<128x128xf32>
      %max3A_66 = arith.maximumf %max3A_65, %get3A_64 : vector<128x128xf32>
      %div3A = arith.divf %get3A_61, %max3A_66 : vector<128x128xf32>
      %get3A_67 = arith.constant 0 : index
      %get3A_68 = arith.constant 0 : index
      %get3A_69 = vector.load %arg8[%get3A_67, %get3A_68] : memref<128x12xf32, #tpu.memory_space<vmem>>, vector<128x12xf32>
      %dot_general3A_70 = arith.constant dense<0.000000e+00> : vector<128x12xf32>
      %dot_general3A_71 = tpu.matmul %div3A, %get3A_69, %dot_general3A_70 {dimension_numbers = #tpu.dot_dimension_numbers<[1], [0], [0], [1], [0, 0, 1, 1], [], []>, precision = #tpu.contract_precision<fp32>, transpose_lhs_hint = false} : vector<128x128xf32>, vector<128x12xf32>, vector<128x12xf32> -> vector<128x12xf32>
      %get3A_72 = arith.constant 0 : index
      %get3A_73 = arith.constant 0 : index
      %get3A_74 = vector.load %arg9[%get3A_72, %get3A_73] : memref<1x12xf32, #tpu.memory_space<vmem>>, vector<1x12xf32>
      %add3A_75 = vector.broadcast %get3A_74 : vector<1x12xf32> to vector<128x12xf32>
      %add3A_76 = arith.addf %dot_general3A_71, %add3A_75 : vector<128x12xf32>
      %swap3A_77 = arith.constant 0 : index
      %swap3A_78 = arith.constant 0 : index
      %swap3A_79 = vector.load %arg10[%swap3A_77, %swap3A_78] : memref<128x12xf32, #tpu.memory_space<vmem>>, vector<128x12xf32>
      tpu.vector_store %arg10[%swap3A_77, %swap3A_78], %add3A_76 {strides = array<i32>} : memref<128x12xf32, #tpu.memory_space<vmem>>, vector<128x12xf32>,
    } else {
    }
    return
  }
  func.func @transform_0(%arg0: i32) -> (i32, i32) {
    %c0_i32 = arith.constant 0 : i32
    %c0_i32_0 = arith.constant 0 : i32
    return %arg0, %c0_i32 : i32, i32
  }
  func.func @transform_1(%arg0: i32) -> (i32, i32) {
    %c0_i32 = arith.constant 0 : i32
    %c0_i32_0 = arith.constant 0 : i32
    return %arg0, %c0_i32 : i32, i32
  }
  func.func @transform_2(%arg0: i32) -> (i32, i32) {
    %c0_i32 = arith.constant 0 : i32
    %c0_i32_0 = arith.constant 0 : i32
    return %arg0, %c0_i32 : i32, i32
  }
  func.func @transform_3(%arg0: i32) -> (i32, i32, i32) {
    %c0_i32 = arith.constant 0 : i32
    %c0_i32_0 = arith.constant 0 : i32
    %c0_i32_1 = arith.constant 0 : i32
    return %arg0, %c0_i32, %c0_i32_0 : i32, i32, i32
  }
  func.func @transform_4(%arg0: i32) -> (i32, i32) {
    %c0_i32 = arith.constant 0 : i32
    %c0_i32_0 = arith.constant 0 : i32
    %c0_i32_1 = arith.constant 0 : i32
    return %c0_i32, %c0_i32_0 : i32, i32
  }
  func.func @transform_5(%arg0: i32) -> (i32, i32) {
    %c0_i32 = arith.constant 0 : i32
    %c0_i32_0 = arith.constant 0 : i32
    %c0_i32_1 = arith.constant 0 : i32
    return %c0_i32, %c0_i32_0 : i32, i32
  }
  func.func @transform_6(%arg0: i32) -> (i32, i32) {
    %c0_i32 = arith.constant 0 : i32
    %c0_i32_0 = arith.constant 0 : i32
    %c0_i32_1 = arith.constant 0 : i32
    return %c0_i32, %c0_i32_0 : i32, i32
  }
  func.func @transform_7(%arg0: i32) -> (i32, i32) {
    %c0_i32 = arith.constant 0 : i32
    %c0_i32_0 = arith.constant 0 : i32
    %c0_i32_1 = arith.constant 0 : i32
    return %c0_i32, %c0_i32_0 : i32, i32
  }
  func.func @transform_8(%arg0: i32) -> (i32, i32) {
    %c0_i32 = arith.constant 0 : i32
    %c0_i32_0 = arith.constant 0 : i32
    %c0_i32_1 = arith.constant 0 : i32
    return %c0_i32, %c0_i32_0 : i32, i32
  }
  func.func @transform_9(%arg0: i32) -> (i32, i32) {
    %c0_i32 = arith.constant 0 : i32
    %c0_i32_0 = arith.constant 0 : i32
    %c0_i32_1 = arith.constant 0 : i32
    return %c0_i32, %c0_i32_0 : i32, i32
  }
}

</mosaic_0001>

<sc_bundles>
// kernel: kernel.4.cloned.1.call-start
scs
__scs_entry_jumppad:
0x0: {  	(pc) =	sbr.rel $0x88, $3  }
0x1: {  	(tag) =	ssettag $0x0;
	lr =	simm.s32 $0x1  }
0x2: {  	[smem:$0x3F98] =	sst lr;
	_ =	strace $0xD0000000  }
0x3: {  	_ = 	snop  }
0x4: {  	_ = 	snop  }
0x5: {  	_ = 	snop  }
0x6: {  	_ = 	snop  }
0x7: {  	_ = 	snop  }
__scs_overlays_trampoline_lowered:
0x8: {  	[smem:$0x3FA7] =	sst s0  }
0x9: {  	[smem:$0x3FA8] =	sst s1  }
0xa: {  	[smem:$0x3FA9] =	sst s2  }
0xb: {  	[smem:$0x3FAA] =	sst s3  }
0xc: {  	[smem:$0x3FAB] =	sst s4  }
0xd: {  	[smem:$0x3FAC] =	sst s5  }
0xe: {  	[smem:$0x3FAD] =	sst s6  }
0xf: {  	[smem:$0x3FAE] =	sst s7  }
0x10: {  	[smem:$0x3FAF] =	sst s8  }
0x11: {  	[smem:$0x3FB0] =	sst s9;
	s0 =	simm.s32 @!p0 $0x0  }
0x12: {  	s1 =	sld [smem:$0x3F96];
	s0 =	simm.s32 @p0 $0x1  }
0x13: {  	[smem:$0x3FB1] =	sst s0;
	s0 =	simm.s32 @!p1 $0x0  }
0x14: {  	s2 =	sld [smem:$0x3F95];
	s0 =	simm.s32 @p1 $0x1  }
0x15: {  	[smem:$0x3FB2] =	sst s0;
	s0 =	simm.s32 @!p2 $0x0  }
0x16: {  	s3 =	sld [smem:$0x3FDB];
	s0 =	simm.s32 @p2 $0x1  }
0x17: {  	s4 =	simm.s32 $0x1BF5;
	[smem:$0x3FB4] =	sst s0  }
0x18: {  	s0 =	sld [smem:$0x3F97];
	_ =	swait.ge [sflag:s4], $0x0  }
0x19: {  	s7 =	sld [smem:$0x3F98]  }
0x1a: {  	s8 =	sadd.s32 $0xFFFFE003, lr  }
0x1b: {  	s9 =	sadd.s32 $0xFFFFFEF7, lr;
	s5 =	simm.s32 $0xFFFFFFFF;
	p2 =	slt.u32 s8, $0xFFFFF086  }
0x1c: {  	p1 =	slt.u32 s9, $0xF7A;
	s5 =	simm.s32 @!p2 $0x0  }
0x1d: {  	s5 =	simm.s32 @p1 $0x1;
	p0 =	seq.s32 s7, s2  }
0x1e: {  	s7 =	smul.u32 @!p0 $0xF7A, s2;
	p2 =	seq.s32 @!p0 s5, $0x0  }
0x1f: {  	s9 =	smul.u32 $0xF7A, s1;
	s8 =	simm.s32 @!p0 $0x1BF5;
	p2 =	por !p2, p0  }
0x20: {  	[sflag:s8] =	ssyncset.s32 @!p0 $0xFFFFF086;
	s6 =	sadd.s32 @!p0 s3, s7;
	s7 =	simm.s32 @!p0 $0x108  }
0x21: {  	s3 =	sadd.s32 s3, s9;
	s6 =	sadd.s32 @!p0 $0x88, s6;
	s7 =	simm.s32 @p2 $0x1082  }
0x22: {  	[simem:s7], [sflag:s8] =	dma.local @!p0 [hbm:s6], $0xF7A  }
0x23: {  	s9 =	sor.u32 $0xD0000000, s2;
	s6 =	simm.s32 $0x108;
	_ =	swait.ge @!p0 [sflag:s8], $0x0  }
0x24: {  	s3 =	sadd.s32 $0x88, s3;
	s6 =	simm.s32 @!p1 $0x1082;
	[sflag:s4] =	ssyncset.s32 $0xFFFFF086  }
0x25: {  	[simem:s6], [sflag:s4] =	dma.local [hbm:s3], $0xF7A  }
0x26: {  	[smem:$0x3F98] =	sst s1;
	(tag) =	ssettag s2;
	_ =	strace s9  }
0x27: {  	s1 =	sld [smem:$0x3FA8]  }
0x28: {  	s2 =	sld [smem:$0x3FA9]  }
0x29: {  	s4 =	sld [smem:$0x3FAB]  }
0x2a: {  	p0 =	seq.s32 s5, $0x0;
	s5 =	sld [smem:$0x3FAC]  }
0x2b: {  	s6 =	sld [smem:$0x3FAD]  }
0x2c: {  	s7 =	sld [smem:$0x3FAE]  }
0x2d: {  	s3 =	simm.s32 $0x108;
	s8 =	sld [smem:$0x3FAF]  }
0x2e: {  	s3 =	simm.s32 @!p0 $0x1082;
	s9 =	sld [smem:$0x3FB0]  }
0x2f: {  	lr =	sadd.s32 s0, s3;
	s0 =	sld [smem:$0x3FA7]  }
0x30: {  	s3 =	sld [smem:$0x3FAA]  }
0x31: {  	[smem:$0x3FB3] =	sst s10  }
0x32: {  	s10 =	sld [smem:$0x3FB1];
	_ =	sdelay $0x3  }
0x33: {  	p0 =	seq.s32 s10, $0x1;
	s10 =	sld [smem:$0x3FB3];
	_ =	sdelay $0x3  }
0x34: {  	[smem:$0x3FB3] =	sst s10  }
0x35: {  	s10 =	sld [smem:$0x3FB2];
	_ =	sdelay $0x3  }
0x36: {  	p1 =	seq.s32 s10, $0x1;
	s10 =	sld [smem:$0x3FB3];
	_ =	sdelay $0x3  }
0x37: {  	[smem:$0x3FB3] =	sst s10  }
0x38: {  	s10 =	sld [smem:$0x3FB4]  }
0x39: {  	_ = 	snop;
	(pc) =	sbr.ind lr, $3  }
0x3a: {  	_ = 	snop  }
0x3b: {  	_ = 	snop  }
0x3c: {  	p2 =	seq.s32 s10, $0x1;
	s10 =	sld [smem:$0x3FB3]  }
0x3d: {  	_ =	shalt  }
0x3e: {  	_ =	shalt  }
0x3f: {  	_ =	shalt  }
0x40: {  	_ =	shalt  }
0x41: {  	_ =	shalt  }
0x42: {  	_ =	shalt  }
0x43: {  	_ =	shalt  }
0x44: {  	_ =	shalt  }
0x45: {  	_ =	shalt  }
0x46: {  	_ =	shalt  }
0x47: {  	_ =	shalt  }
0x48: {  	_ =	shalt  }
0x49: {  	_ =	shalt  }
0x4a: {  	_ =	shalt  }
0x4b: {  	_ =	shalt  }
0x4c: {  	_ =	shalt  }
0x4d: {  	_ =	shalt  }
0x4e: {  	_ =	shalt  }
0x4f: {  	_ =	shalt  }
0x50: {  	_ =	shalt  }
0x51: {  	_ =	shalt  }
0x52: {  	_ =	shalt  }
0x53: {  	_ =	shalt  }
0x54: {  	_ =	shalt  }
0x55: {  	_ =	shalt  }
0x56: {  	_ =	shalt  }
0x57: {  	_ =	shalt  }
0x58: {  	_ =	shalt  }
0x59: {  	_ =	shalt  }
0x5a: {  	_ =	shalt  }
0x5b: {  	_ =	shalt  }
0x5c: {  	_ =	shalt  }
0x5d: {  	_ =	shalt  }
0x5e: {  	_ =	shalt  }
0x5f: {  	_ =	shalt  }
0x60: {  	_ =	shalt  }
0x61: {  	_ =	shalt  }
0x62: {  	_ =	shalt  }
0x63: {  	_ =	shalt  }
0x64: {  	_ =	shalt  }
0x65: {  	_ =	shalt  }
0x66: {  	_ =	shalt  }
0x67: {  	_ =	shalt  }
0x68: {  	_ =	shalt  }
0x69: {  	_ =	shalt  }
0x6a: {  	_ =	shalt  }
0x6b: {  	_ =	shalt  }
0x6c: {  	_ =	shalt  }
0x6d: {  	_ =	shalt  }
0x6e: {  	_ =	shalt  }
0x6f: {  	_ =	shalt  }
0x70: {  	_ =	shalt  }
0x71: {  	_ =	shalt  }
0x72: {  	_ =	shalt  }
0x73: {  	_ =	shalt  }
0x74: {  	_ =	shalt  }
0x75: {  	_ =	shalt  }
0x76: {  	_ =	shalt  }
0x77: {  	_ =	shalt  }
0x78: {  	_ =	shalt  }
0x79: {  	_ =	shalt  }
0x7a: {  	_ =	shalt  }
0x7b: {  	_ =	shalt  }
0x7c: {  	_ =	shalt  }
0x7d: {  	_ =	shalt  }
0x7e: {  	_ =	shalt  }
0x7f: {  	_ =	shalt  }
0x80: {  	_ =	shalt  }
0x81: {  	_ =	shalt  }
0x82: {  	_ =	shalt  }
0x83: {  	_ =	shalt  }
0x84: {  	_ =	shalt  }
0x85: {  	_ =	shalt  }
0x86: {  	_ =	shalt  }
0x87: {  	_ =	shalt  }
.Lfunc_end0:
.L_simem_size_0:
called_computation_lowered:
.L_overlay_start_0:
0x88: {  	s2 =	sld [smem:$0x3FD9]  }
0x89: {  	s3 =	sld [smem:$0x3FFE];
	_ =	sdelay $0x1  }
0x8a: {  	s1 =	srdreg.scid  }
0x8b: {  	s0 =	sand.u32 $0x1, s1  }
0x8c: {  	s16 =	sshll.u32 s0, $0xA;
	s2 =	sadd.s32 s3, s2  }
0x8d: {  	s2 =	sadd.s32 s2, s16  }
0x8e: {  	[smem:$0x3FBF] =	sst s2  }
0x8f: {  	_ = 	snop  }
0x90: {  	(tm) =	ssettm $0x1  }
0x91: {  	s17 =	sld [smem:$0x3FFB];
	_ =	sdelay $0x3  }
0x92: {  	_ =	strace s17  }
0x93: {  	s2 =	sld [smem:$0x3FFC];
	_ =	sdelay $0x3  }
0x94: {  	_ =	strace s2  }
0x95: {  	s2 =	sld [smem:$0x3FFD];
	_ =	sdelay $0x3  }
0x96: {  	_ =	strace s2  }
0x97: {  	_ =	strace $0x8FFFFFFF  }
0x98: {  	s18 =	sld [smem:$0x3FDB];
	_ =	sdelay $0x1  }
0x99: {  	s19 =	simm.s32 $_scs_section_size  }
0x9a: {  	s4 =	simm.s32 $_size__tile_overlayer_lowered;
	s5 =	simm.s32 $_tile_overlayer_lowered  }
0x9b: {  	s22 =	simm.s32 $0x1BFF;
	s21 =	sshll.u32 s5, $0x1;
	s2 =	sadd.s32 s19, s18  }
0x9c: {  	s6 =	simm.s32 $0x0;
	s20 =	sshll.u32 s4, $0x1;
	s4 =	sadd.s32 s21, s2  }
0x9d: {  	[timem:s6], [sflag:s22] =	dma.local [hbm:s4], s20  }
0x9e: {  	_ =	swait.ge [sflag:s22], s20  }
0x9f: {  	s3 =	ssub.s32 $0x0, s20;
	[sflag:s22] =	ssyncset.done $0x0  }
0xa0: {  	[sflag:s22] =	ssyncadd.s32 s3;
	_ =	sdelay $0x1  }
0xa1: {  	s23 =	simm.s32 $0x1B8B  }
0xa2: {  	_ =	swait.ge [sflag:s23], $0x1  }
0xa3: {  	[sflag:s23] =	ssyncset.done $0x0  }
0xa4: {  	s25 =	simm.s32 $0x1B8E;
	s24 =	sld [smem:$0x3FFE];
	[sflag:s23] =	ssyncadd.s32 $0xFFFFFFFF  }
0xa5: {  	s26 =	simm.s32 $execute0_lowered;
	[smem:$0x3FD2] =	sst s25  }
0xa6: {  	s4 =	sshll.u32 s26, $0x1;
	_ =	strace $0x80000046;
	[dreg:$0x1] =	wrdreg $0xFFFFFFFF  }
0xa7: {  	s28 =	simm.s32 $_size_execute0_lowered;
	s2 =	sadd.s32 s2, s4;
	[dreg:$0x0] =	wrdreg $0x0  }
0xa8: {  	s4 =	sshll.u32 s28, $0x1;
	[dreg:$0x2] =	wrdreg s2  }
0xa9: {  	[dreg:$0x3] =	wrdreg s4  }
0xaa: {  	[dreg:$0x4] =	wrdreg $0xC0  }
0xab: {  	_ =	task [dreg:s6], $0x5FFFF  }
0xac: {  	[dreg:$0x1] =	wrdreg $0xFFFFFFFF  }
0xad: {  	[dreg:$0x0] =	wrdreg $0x60  }
0xae: {  	[dreg:$0x2] =	wrdreg s24  }
0xaf: {  	[dreg:$0x3] =	wrdreg $0x81800  }
0xb0: {  	[dreg:$0x4] =	wrdreg $0x9  }
0xb1: {  	_ =	task.clear_ibuf [dreg:s6], $0x5FFFF;
	_ =	strace $0x90000046  }
0xb2: {  	s29 =	simm.s32 $0x9;
	_ =	strace $0x80000048  }
0xb3: {  	_ =	swait.ge [sflag:s29], $0x1  }
0xb4: {  	[sflag:s29] =	ssyncadd.s32 $0xFFFFFFFF  }
0xb5: {  	_ =	strace $0x90000048  }
0xb6: {  	_ =	sfence  }
0xb7: {  	s30 =	sld [smem:$0x0];
	_ =	sdelay $0x2  }
0xb8: {  	s31 =	sshll.u32 s1, $0xD;
	s1 =	sshrl.u32 s1, $0x2  }
0xb9: {  	s3 =	sand.u32 $0x4000, s31;
	s1 =	sadd.s32 s1, s30  }
0xba: {  	s0 =	sor.u32 s3, s0;
	s1 =	sshll.u32 s1, $0x11  }
0xbb: {  	s0 =	sor.u32 s1, s0  }
0xbc: {  	s0 =	sadd.s32 $0x8F2B, s0  }
0xbd: {  	[sflag:s0] =	ssyncadd.remote.s32 $0x1  }
0xbe: {  	_ =	sfence.sel $0xFFFF  }
0xbf: {  	[dreg:$0x0] =	wrdreg $0xFFFFFFFF;
	(pc) =	sbr.abs _section_cstart, $3  }
0xc0: {  	[dreg:$0x1] =	wrdreg $0xFFFFFFFF  }
0xc1: {  	_ =	task.clear_ibuf [dreg:s6], $0x2FFFF;
	_ =	strace $0x9FFFFFFF  }
0xc2: {  	(tm) =	ssettm $0x7FFFFFFF  }
0xc3: {  	_ =	shalt  }
tec
execute0_lowered:
.L_overlay_start_1:
0x0: {  	(tag) =	ssettag $0x1  }
0x1: {  	s10 =	rddreg [dreg:$0x0]  }
0x2: {  	s2 =	rddreg [dreg:$0x1]  }
0x3: {  	s0 =	rddreg [dreg:$0x2]  }
0x4: {  	s3 =	simm.s32 $0x0;
	s1 =	stileid.u32;
	s7 =	srdreg.scid  }
0x5: {  	s13 =	simm.s32 $0x80;
	s14 =	simm.s32 $0x180;
	s15 =	simm.s32 $0x3  }
0x6: {  	s17 =	simm.s32 $0x40;
	s18 =	simm.s32 $0x100;
	s19 =	simm.s32 $0x2180  }
0x7: {  	s20 =	simm.s32 $0x2;
	s22 =	simm.s32 $0x6180;
	s5 =	smul.u32 $0x9D0, s1  }
0x8: {  	s23 =	simm.s32 $0x0;
	[smem:$0x7FF] =	sst s3;
	s6 =	smul.u32 $0x13A0, s1  }
0x9: {  	s4 =	sadd.s32 $0x15200, s10;
	s16 =	sand.u32 $0x1, s7;
	s21 =	sadd.s32 $0x6D400, s10  }
0xa: {  	_ =	strace $0x80000047;
	s7 =	ssub.s32 $0x2, s16;
	p0 =	sne.s32 s16, $0x0  }
0xb: {  	s16 =	simm.s32 $0x1;
	s12 =	sadd.s32 s5, s10;
	s8 =	sadd.s32 s6, s10  }
0xc: {  	s5 =	sadd.s32 $0x4F7200, s10;
	s6 =	sadd.s32 $0x46200, s10;
	s9 =	sshrl.u32 s7, $0x1  }
0xd: {  	s10 =	sadd.s32 $0x4F7600, s10;
	s11 =	ssub.s32 s7, s9;
	s7 =	smul.u32 $0x278, s1  }
0xe: {  	s8 =	sadd.s32 $0x1800, s8;
	s9 =	smul.u32 $0x4E800, s1;
	s12 =	sadd.s32 $0x3C400, s12  }
0xf: {  	v0 =	vimm.f32 $0.0e+00;
	v1 =	vlaneseq.u32;
	s6 =	smov.u32 @p0 s21;
	s21 =	simm.s32 $0x4180;
	s11 =	smax.u32 s11, $0x1  }
.LBB2_1:
0x10: {  	s24 =	simm.s32 $0x0;
	s25 =	simm.s32 $0x200  }
.LBB2_2:
0x11: {  	p1 =	sne.s32 s25, $0xFE00;
	[tilespmem:s24+$0x1F0] =	vst v0  }
0x12: {  	[tilespmem:s24+$0x180] =	vst v0  }
0x13: {  	[tilespmem:s24+$0x190] =	vst v0  }
.Ltmp0:
0x14: {  	[tilespmem:s24+$0x1A0] =	vst v0;
	(pc) =	sbr.rel @p1 .LBB2_2-.Ltmp0, $4  }
0x15: {  	[tilespmem:s24+$0x1B0] =	vst v0  }
0x16: {  	[tilespmem:s24+$0x1C0] =	vst v0  }
0x17: {  	[tilespmem:s24+$0x1D0] =	vst v0  }
0x18: {  	[tilespmem:s24+$0x1E0] =	vst v0;
	s24 =	sshra.s32 s25, $0x2;
	s25 =	sadd.s32 $0x200, s25  }
0x19: {  	[tilespmem:s24+$0x1F0] =	vst v0  }
0x1a: {  	[tilespmem:s24+$0x180] =	vst v0  }
0x1b: {  	[tilespmem:s24+$0x190] =	vst v0  }
0x1c: {  	[tilespmem:s24+$0x1A0] =	vst v0  }
0x1d: {  	[tilespmem:s24+$0x1B0] =	vst v0  }
0x1e: {  	[tilespmem:s24+$0x1C0] =	vst v0  }
0x1f: {  	[tilespmem:s24+$0x1D0] =	vst v0  }
0x20: {  	[tilespmem:s24+$0x1E0] =	vst v0;
	s25 =	simm.s32 $0x0;
	s24 =	simm.s32 $0x200  }
.LBB2_4:
0x21: {  	p1 =	sne.s32 s24, $0x7E00;
	[tilespmem:s25+$0x61F0] =	vst v0  }
0x22: {  	[tilespmem:s25+$0x6180] =	vst v0  }
0x23: {  	[tilespmem:s25+$0x6190] =	vst v0  }
.Ltmp1:
0x24: {  	[tilespmem:s25+$0x61A0] =	vst v0;
	(pc) =	sbr.rel @p1 .LBB2_4-.Ltmp1, $4  }
0x25: {  	[tilespmem:s25+$0x61B0] =	vst v0  }
0x26: {  	[tilespmem:s25+$0x61C0] =	vst v0  }
0x27: {  	[tilespmem:s25+$0x61D0] =	vst v0  }
0x28: {  	[tilespmem:s25+$0x61E0] =	vst v0;
	s25 =	sshra.s32 s24, $0x2;
	s24 =	sadd.s32 $0x200, s24  }
0x29: {  	[tilespmem:s25+$0x61F0] =	vst v0  }
0x2a: {  	[tilespmem:s25+$0x6180] =	vst v0  }
0x2b: {  	[tilespmem:s25+$0x6190] =	vst v0  }
0x2c: {  	[tilespmem:s25+$0x61A0] =	vst v0  }
0x2d: {  	[tilespmem:s25+$0x61B0] =	vst v0  }
0x2e: {  	[tilespmem:s25+$0x61C0] =	vst v0;
	s24 =	sadd.s32 $0x0, s7  }
0x2f: {  	[tilespmem:s25+$0x61D0] =	vst v0;
	s24 =	smin.u32 s24, $0x2690  }
0x30: {  	[tilespmem:s25+$0x61E0] =	vst v0;
	v2 =	vadd.s32 s24, v1;
	s28 =	sadd.s32 $0x70, s24  }
0x31: {  	s26 =	sadd.s32 $0x60, s24;
	[tilespmem:$0x0] =	vst v2;
	v2 =	vadd.s32 s28, v1  }
0x32: {  	s29 =	sadd.s32 $0x50, s24;
	v3 =	vadd.s32 s26, v1;
	[tilespmem:$0x70] =	vst v2  }
0x33: {  	s30 =	sadd.s32 $0x40, s24;
	v2 =	vadd.s32 s29, v1;
	[tilespmem:$0x60] =	vst v3  }
0x34: {  	s31 =	sadd.s32 $0x30, s24;
	v3 =	vadd.s32 s30, v1;
	[tilespmem:$0x50] =	vst v2  }
0x35: {  	s25 =	simm.s32 $0x80;
	s26 =	sadd.s32 $0x20, s24;
	v2 =	vadd.s32 s31, v1;
	[tilespmem:$0x40] =	vst v3  }
.LBB2_6:
0x36: {  	p1 =	sne.s32 s25, $0x200;
	s24 =	sadd.s32 $0x10, s24;
	v3 =	vadd.s32 s26, v1;
	[tilespmem:$0x30] =	vst v2  }
0x37: {  	v2 =	vadd.s32 s24, v1;
	[tilespmem:$0x20] =	vst v3  }
0x38: {  	[tilespmem:$0x10] =	vst v2;
	[spmem:s2] =	stream.indirect.scatter [tilespmem:s14], [sflag:$0x3], $0x80, s3, s13, $0xb8  }
0x39: {  	s24 =	sadd.s32 s25, s7;
	_ =	swait.ge [sflag:s15], $0x4000  }
0x3a: {  	s24 =	smin.u32 s24, $0x2690;
	[sflag:s15] =	ssyncset.done $0x0  }
0x3b: {  	v2 =	vadd.s32 s24, v1;
	s26 =	sadd.s32 $0x70, s24;
	[sflag:s15] =	ssyncadd.s32 $0xFFFFC000  }
.Ltmp2:
0x3c: {  	s28 =	sadd.s32 $0x60, s24;
	[tilespmem:$0x0] =	vst v2;
	v2 =	vadd.s32 s26, v1;
	(pc) =	sbr.rel @p1 .LBB2_6-.Ltmp2, $4  }
0x3d: {  	v3 =	vadd.s32 s28, v1;
	s26 =	sadd.s32 $0x50, s24;
	[tilespmem:$0x70] =	vst v2  }
0x3e: {  	s28 =	sadd.s32 $0x40, s24;
	v2 =	vadd.s32 s26, v1;
	[tilespmem:$0x60] =	vst v3  }
0x3f: {  	s29 =	sadd.s32 $0x30, s24;
	v3 =	vadd.s32 s28, v1;
	[tilespmem:$0x50] =	vst v2  }
0x40: {  	s25 =	sadd.s32 $0x80, s25;
	s26 =	sadd.s32 $0x20, s24;
	v2 =	vadd.s32 s29, v1;
	[tilespmem:$0x40] =	vst v3  }
0x41: {  	s24 =	sadd.s32 $0x10, s24;
	v3 =	vadd.s32 s26, v1;
	[tilespmem:$0x30] =	vst v2  }
0x42: {  	v2 =	vadd.s32 s24, v1;
	[tilespmem:$0x20] =	vst v3  }
0x43: {  	[tilespmem:$0x10] =	vst v2  }
0x44: {  	[spmem:s2] =	stream.indirect.scatter [tilespmem:s14], [sflag:$0x3], $0x80, s3, s13, $0xb8;
	[tilespmem:$0x1BA00] =	vst v63  }
.Ltmp3:
0x45: {  	_ =	swait.ge [sflag:s15], $0x4000;
	(pc) =	sbr.rel @p0 .LBB2_11-.Ltmp3, $4  }
0x46: {  	[sflag:s15] =	ssyncset.done $0x0  }
0x47: {  	[sflag:s15] =	ssyncadd.s32 $0xFFFFC000  }
0x48: {  	[bflag:$0x0] =	sbarrier.arrive $0xFFFF  }
0x49: {  	s25 =	simm.s32 $0x0;
	s24 =	simm.s32 $0x0  }
0x4a: {  	s24 =	sadd.s32 $0x0, s12  }
0x4b: {  	[tilespmem:s3], [sflag:$0x3] =	stream.linear.gather [hbm4b:s24+s3], $0x80, $0x38;
	[tilespmem:$0x1BA00] =	vst v63  }
0x4c: {  	_ =	swait.ge [sflag:s15], $0x80  }
0x4d: {  	[sflag:s15] =	ssyncset.done $0x0  }
0x4e: {  	[sflag:s15] =	ssyncadd.s32 $0xFFFFFF80  }
0x4f: {  	[tilespmem:s14], [sflag:$0x1] =	stream.indirect.gather [hbm4b:s4+s13], $0x80, s3, s13, $0xb8;
	[tilespmem:$0x1BA00] =	vst v63  }
0x50: {  	_ = 	snop  }
0x51: {  	[tilespmem:s13], [sflag:$0x3] =	stream.linear.gather [hbm4b:s8+s3], $0x100, $0x38;
	[tilespmem:$0x1BA00] =	vst v63  }
0x52: {  	_ =	swait.ge [sflag:s15], $0x100  }
0x53: {  	[sflag:s15] =	ssyncset.done $0x0  }
0x54: {  	[sflag:s15] =	ssyncadd.s32 $0xFFFFFF00  }
0x55: {  	_ =	swait.ge [sflag:s16], $0x4000  }
0x56: {  	[sflag:s16] =	ssyncset.done $0x0  }
0x57: {  	[sflag:s16] =	ssyncadd.s32 $0xFFFFC000  }
0x58: {  	[spmem:s2] =	stream.indirect.scatter.add.f32 [tilespmem:s14], [sflag:$0x2], $0x80, s13, s17, $0xb8;
	[tilespmem:$0x1BA00] =	vst v63  }
0x59: {  	_ = 	snop  }
0x5a: {  	[spmem:s2] =	stream.indirect.scatter.add.f32 [tilespmem:s19], [sflag:$0x2], $0x80, s18, s17, $0xb8;
	[tilespmem:$0x1BA00] =	vst v63  }
0x5b: {  	_ =	swait.ge [sflag:s20], $0x2000  }
0x5c: {  	[sflag:s20] =	ssyncset.done $0x0  }
0x5d: {  	[sflag:s20] =	ssyncadd.s32 $0xFFFFE000  }
0x5e: {  	s25 =	simm.s32 $0x10;
	_ =	swait.ge [sflag:s20], $0x2000  }
0x5f: {  	s26 =	simm.s32 $0x20;
	s24 =	sadd.s32 $0x20, s8;
	[sflag:s20] =	ssyncset.done $0x0  }
.LBB2_9:
0x60: {  	s28 =	sadd.s32 s25, s12  }
0x61: {  	[sflag:s20] =	ssyncadd.s32 $0xFFFFE000;
	s25 =	smov.u32 s26;
	s29 =	sadd.s32 $0x10, s26  }
0x62: {  	[tilespmem:s3], [sflag:$0x3] =	stream.linear.gather [hbm4b:s28+s3], $0x80, $0x38;
	[tilespmem:$0x1BA00] =	vst v63  }
0x63: {  	p1 =	seq.s32 s26, $0x9C0;
	_ =	swait.ge [sflag:s15], $0x80  }
0x64: {  	[sflag:s15] =	ssyncset.done $0x0  }
0x65: {  	[sflag:s15] =	ssyncadd.s32 $0xFFFFFF80  }
0x66: {  	[tilespmem:s14], [sflag:$0x1] =	stream.indirect.gather [hbm4b:s4+s13], $0x80, s3, s13, $0xb8;
	[tilespmem:$0x1BA00] =	vst v63  }
0x67: {  	_ = 	snop  }
0x68: {  	[tilespmem:s13], [sflag:$0x3] =	stream.linear.gather [hbm4b:s24+s3], $0x100, $0x38;
	[tilespmem:$0x1BA00] =	vst v63  }
0x69: {  	_ =	swait.ge [sflag:s15], $0x100  }
0x6a: {  	[sflag:s15] =	ssyncset.done $0x0  }
0x6b: {  	[sflag:s15] =	ssyncadd.s32 $0xFFFFFF00  }
0x6c: {  	_ =	swait.ge [sflag:s16], $0x4000  }
0x6d: {  	[sflag:s16] =	ssyncset.done $0x0  }
0x6e: {  	[sflag:s16] =	ssyncadd.s32 $0xFFFFC000  }
0x6f: {  	[spmem:s2] =	stream.indirect.scatter.add.f32 [tilespmem:s14], [sflag:$0x2], $0x80, s13, s17, $0xb8;
	[tilespmem:$0x1BA00] =	vst v63  }
0x70: {  	_ = 	snop  }
0x71: {  	[spmem:s2] =	stream.indirect.scatter.add.f32 [tilespmem:s19], [sflag:$0x2], $0x80, s18, s17, $0xb8;
	[tilespmem:$0x1BA00] =	vst v63  }
.Ltmp4:
0x72: {  	_ =	swait.ge [sflag:s20], $0x2000;
	(pc) =	sbr.rel @!p1 .LBB2_9-.Ltmp4, $4  }
0x73: {  	[sflag:s20] =	ssyncset.done $0x0  }
0x74: {  	[sflag:s20] =	ssyncadd.s32 $0xFFFFE000  }
0x75: {  	_ =	swait.ge [sflag:s20], $0x2000  }
0x76: {  	s26 =	smov.u32 s29;
	s24 =	sadd.s32 $0x20, s24;
	[sflag:s20] =	ssyncset.done $0x0  }
0x77: {  	s25 =	sadd.s32 s25, s12;
	[sflag:s20] =	ssyncadd.s32 $0xFFFFE000  }
0x78: {  	[tilespmem:s3], [sflag:$0x3] =	stream.linear.gather [hbm4b:s25+s3], $0x80, $0x38;
	[tilespmem:$0x1BA00] =	vst v63  }
0x79: {  	_ =	swait.ge [sflag:s15], $0x80  }
0x7a: {  	[sflag:s15] =	ssyncset.done $0x0  }
0x7b: {  	[sflag:s15] =	ssyncadd.s32 $0xFFFFFF80  }
0x7c: {  	[tilespmem:s14], [sflag:$0x1] =	stream.indirect.gather [hbm4b:s4+s13], $0x80, s3, s13, $0xb8;
	[tilespmem:$0x1BA00] =	vst v63  }
0x7d: {  	_ = 	snop  }
0x7e: {  	[tilespmem:s13], [sflag:$0x3] =	stream.linear.gather [hbm4b:s24+s3], $0x100, $0x38;
	[tilespmem:$0x1BA00] =	vst v63  }
0x7f: {  	_ =	swait.ge [sflag:s15], $0x100  }
0x80: {  	[sflag:s15] =	ssyncset.done $0x0  }
0x81: {  	[sflag:s15] =	ssyncadd.s32 $0xFFFFFF00  }
0x82: {  	_ =	swait.ge [sflag:s16], $0x4000  }
0x83: {  	[sflag:s16] =	ssyncset.done $0x0  }
0x84: {  	[sflag:s16] =	ssyncadd.s32 $0xFFFFC000  }
0x85: {  	[spmem:s2] =	stream.indirect.scatter.add.f32 [tilespmem:s14], [sflag:$0x2], $0x80, s13, s17, $0xb8;
	[tilespmem:$0x1BA00] =	vst v63  }
0x86: {  	_ = 	snop  }
0x87: {  	[spmem:s2] =	stream.indirect.scatter.add.f32 [tilespmem:s19], [sflag:$0x2], $0x80, s18, s17, $0xb8;
	[tilespmem:$0x1BA00] =	vst v63  }
0x88: {  	_ =	swait.ge [sflag:s20], $0x2000  }
.Ltmp5:
0x89: {  	[sflag:s20] =	ssyncset.done $0x0;
	(pc) =	sbr.rel .LBB2_16-.Ltmp5, $4  }
0x8a: {  	[sflag:s20] =	ssyncadd.s32 $0xFFFFE000  }
0x8b: {  	_ =	swait.ge [sflag:s20], $0x2000  }
0x8c: {  	[sflag:s20] =	ssyncset.done $0x0  }
0x8d: {  	[sflag:s20] =	ssyncadd.s32 $0xFFFFE000  }
.LBB2_11:
0x8e: {  	s26 =	sshll.u32 s25, $0x5  }
0x8f: {  	s26 =	sadd.s32 s26, s8  }
0x90: {  	[tilespmem:s13], [sflag:$0x3] =	stream.linear.gather [hbm4b:s26+s24], $0x100, $0x38;
	[tilespmem:$0x1BA00] =	vst v63  }
0x91: {  	s31 =	sshll.u32 s25, $0xB;
	_ =	swait.ge [sflag:s15], $0x100  }
0x92: {  	s26 =	sadd.s32 s9, s31;
	[sflag:s15] =	ssyncset.done $0x0  }
0x93: {  	s28 =	sadd.s32 s5, s26;
	[sflag:s15] =	ssyncadd.s32 $0xFFFFFF00  }
0x94: {  	[tilespmem:s21], [sflag:$0x3] =	stream.linear.gather [hbm4b:s28+s24], $0x2000, $0x38;
	[tilespmem:$0x1BA00] =	vst v63  }
0x95: {  	_ =	swait.ge [sflag:s15], $0x2000  }
0x96: {  	[sflag:s15] =	ssyncset.done $0x0  }
0x97: {  	s28 =	simm.s32 $0x0;
	[sflag:s15] =	ssyncadd.s32 $0xFFFFE000  }
0x98: {  	s29 =	simm.s32 $0x200;
	v2 =	vld [tilespmem:s28+$0x4180]  }
.LBB2_12:
0x99: {  	p1 =	sne.s32 s29, $0x7E00  }
.Ltmp6:
0x9a: {  	_ = 	snop;
	(pc) =	sbr.rel @p1 .LBB2_12-.Ltmp6, $3  }
0x9b: {  	_ =	sdelay $0x1  }
0x9c: {  	[tilespmem:s28+$0x6180] =	vst v2;
	s28 =	sshra.s32 s29, $0x2;
	s29 =	sadd.s32 $0x200, s29  }
0x9d: {  	v2 =	vld [tilespmem:s28+$0x4180]  }
0x9e: {  	_ =	sdelay $0x3  }
0x9f: {  	[tilespmem:s28+$0x6180] =	vst v2  }
0xa0: {  	[spmem:s2] =	stream.indirect.scatter.add.f32 [tilespmem:s22], [sflag:$0x2], $0x80, s13, s17, $0xb8;
	[tilespmem:$0x1BA00] =	vst v63  }
0xa1: {  	s26 =	sadd.s32 s26, s10;
	s28 =	simm.s32 $0x0  }
0xa2: {  	[tilespmem:s21], [sflag:$0x3] =	stream.linear.gather [hbm4b:s26+s28], $0x2000, $0x38;
	[tilespmem:$0x1BA00] =	vst v63  }
0xa3: {  	_ =	swait.ge [sflag:s15], $0x2000  }
0xa4: {  	[sflag:s15] =	ssyncset.done $0x0  }
0xa5: {  	[sflag:s15] =	ssyncadd.s32 $0xFFFFE000  }
0xa6: {  	_ =	swait.ge [sflag:s20], $0x2000  }
0xa7: {  	[sflag:s20] =	ssyncset.done $0x0  }
0xa8: {  	s26 =	simm.s32 $0x0;
	[sflag:s20] =	ssyncadd.s32 $0xFFFFE000  }
0xa9: {  	s28 =	simm.s32 $0x200;
	v2 =	vld [tilespmem:s26+$0x4180]  }
.LBB2_14:
0xaa: {  	p1 =	sne.s32 s28, $0x7E00  }
.Ltmp7:
0xab: {  	_ = 	snop;
	(pc) =	sbr.rel @p1 .LBB2_14-.Ltmp7, $3  }
0xac: {  	_ =	sdelay $0x1  }
0xad: {  	[tilespmem:s26+$0x6180] =	vst v2;
	s26 =	sshra.s32 s28, $0x2;
	s28 =	sadd.s32 $0x200, s28  }
0xae: {  	v2 =	vld [tilespmem:s26+$0x4180]  }
0xaf: {  	_ =	sdelay $0x1  }
0xb0: {  	s25 =	sadd.s32 $0x1, s25  }
0xb1: {  	p1 =	sne.s32 s25, $0x9D  }
.Ltmp8:
0xb2: {  	[tilespmem:s26+$0x6180] =	vst v2;
	(pc) =	sbr.rel @p1 .LBB2_11-.Ltmp8, $4  }
0xb3: {  	[spmem:s2] =	stream.indirect.scatter.add.f32 [tilespmem:s22], [sflag:$0x3], $0x80, s18, s17, $0xb8;
	[tilespmem:$0x1BA00] =	vst v63  }
0xb4: {  	_ =	swait.ge [sflag:s15], $0x2000  }
0xb5: {  	[sflag:s15] =	ssyncset.done $0x0  }
0xb6: {  	[sflag:s15] =	ssyncadd.s32 $0xFFFFE000  }
.LBB2_16:
0xb7: {  	s24 =	sadd.s32 $0x0, s7  }
0xb8: {  	s24 =	smin.u32 s24, $0x2690  }
0xb9: {  	[bflag:$0x0] =	sbarrier.arrive $0xFFFF;
	v2 =	vadd.s32 s24, v1;
	s25 =	sadd.s32 $0x10, s24  }
0xba: {  	s26 =	sadd.s32 $0x20, s24;
	[tilespmem:$0x0] =	vst v2;
	v2 =	vadd.s32 s25, v1  }
0xbb: {  	s31 =	sadd.s32 $0x70, s24;
	v3 =	vadd.s32 s26, v1;
	[tilespmem:$0x10] =	vst v2  }
0xbc: {  	s29 =	sadd.s32 $0x40, s24;
	v2 =	vadd.s32 s31, v1;
	[tilespmem:$0x20] =	vst v3  }
0xbd: {  	s28 =	sadd.s32 $0x50, s24;
	v3 =	vadd.s32 s29, v1;
	[tilespmem:$0x70] =	vst v2  }
0xbe: {  	s31 =	sadd.s32 $0x60, s24;
	v2 =	vadd.s32 s28, v1;
	[tilespmem:$0x40] =	vst v3  }
0xbf: {  	s30 =	sadd.s32 $0x30, s24;
	v3 =	vadd.s32 s31, v1;
	[tilespmem:$0x50] =	vst v2  }
0xc0: {  	v2 =	vadd.s32 s30, v1;
	[tilespmem:$0x60] =	vst v3  }
0xc1: {  	s25 =	simm.s32 $0x80;
	s26 =	sshll.u32 s24, $0x4;
	[tilespmem:$0x30] =	vst v2  }
0xc2: {  	[tilespmem:s14], [sflag:$0x1] =	stream.indirect.gather [spmem:s2], $0x80, s3, s13, $0xb8;
	[tilespmem:$0x1BA00] =	vst v63  }
.LBB2_17:
0xc3: {  	_ =	swait.ge [sflag:s16], $0x4000;
	s28 =	smov.u32 s25;
	s25 =	sadd.s32 $0x80, s25  }
0xc4: {  	s24 =	simm.s32 @!p0 $0x4;
	p1 =	sne.s32 s25, $0x280;
	[sflag:s16] =	ssyncset.done $0x0  }
0xc5: {  	s26 =	sadd.s32 s6, s26;
	s24 =	simm.s32 @p0 $0x3;
	[sflag:s16] =	ssyncadd.s32 $0xFFFFC000  }
0xc6: {  	[hbm4b:s26+s3] =	stream.linear.scatter [tilespmem:s14], [sflag:s24], $0x4000, $0x38;
	[tilespmem:$0x1BA00] =	vst v63  }
0xc7: {  	s26 =	sadd.s32 s28, s7;
	_ =	swait.ge [sflag:s24], $0x4000  }
0xc8: {  	s26 =	smin.u32 s26, $0x2690;
	[sflag:s24] =	ssyncset.done $0x0  }
0xc9: {  	v2 =	vadd.s32 s26, v1;
	s28 =	sadd.s32 $0x10, s26;
	s29 =	sadd.s32 $0x20, s26;
	[sflag:s24] =	ssyncadd.s32 $0xFFFFC000  }
0xca: {  	s30 =	sadd.s32 $0x70, s26;
	v3 =	vadd.s32 s29, v1;
	s29 =	sadd.s32 $0x50, s26;
	[tilespmem:$0x0] =	vst v2;
	v2 =	vadd.s32 s28, v1;
	s28 =	sadd.s32 $0x40, s26  }
0xcb: {  	s31 =	sadd.s32 $0x30, s26;
	v5 =	vadd.s32 s30, v1;
	v4 =	vadd.s32 s29, v1;
	[tilespmem:$0x10] =	vst v2;
	v2 =	vadd.s32 s28, v1;
	s28 =	sadd.s32 $0x60, s26;
	s26 =	sshll.u32 s26, $0x4  }
0xcc: {  	v6 =	vadd.s32 s31, v1;
	v7 =	vadd.s32 s28, v1;
	[tilespmem:$0x70] =	vst v5  }
0xcd: {  	[tilespmem:$0x20] =	vst v3  }
.Ltmp9:
0xce: {  	[tilespmem:$0x50] =	vst v4;
	(pc) =	sbr.rel @p1 .LBB2_17-.Ltmp9, $4  }
0xcf: {  	[tilespmem:$0x40] =	vst v2  }
0xd0: {  	[tilespmem:$0x30] =	vst v6  }
0xd1: {  	[tilespmem:$0x60] =	vst v7  }
0xd2: {  	[tilespmem:s14], [sflag:$0x1] =	stream.indirect.gather [spmem:s2], $0x80, s3, s13, $0xb8;
	[tilespmem:$0x1BA00] =	vst v63  }
0xd3: {  	_ =	swait.ge [sflag:s16], $0x4000;
	s23 =	sadd.s32 $0x1, s23  }
0xd4: {  	[sflag:s16] =	ssyncset.done $0x0;
	p1 =	sne.s32 s23, s11  }
.Ltmp10:
0xd5: {  	s25 =	sadd.s32 s6, s26;
	[sflag:s16] =	ssyncadd.s32 $0xFFFFC000;
	(pc) =	sbr.rel @p1 .LBB2_1-.Ltmp10, $4  }
0xd6: {  	[hbm4b:s25+s3] =	stream.linear.scatter [tilespmem:s14], [sflag:s24], $0x4000, $0x38;
	[tilespmem:$0x1BA00] =	vst v63  }
0xd7: {  	_ =	swait.ge [sflag:s24], $0x4000  }
0xd8: {  	[sflag:s24] =	ssyncset.done $0x0  }
0xd9: {  	[sflag:s24] =	ssyncadd.s32 $0xFFFFC000  }
0xda: {  	_ =	sfence.sel $0x180000  }
0xdb: {  	[bflag:$0x0] =	sbarrier.arrive $0xFFFF  }
0xdc: {  	p0 =	sne.s32 s1, $0x0;
	_ =	strace $0x90000047  }
0xdd: {  	s0 =	sadd.s32 @!p0 $0x100000, s0;
	[bflag:$0x2] =	sbarrier.arrive $0xFFFF  }
0xde: {  	[sflag:s0] =	ssyncadd.tile.s32 @!p0 $0x1;
	_ =	shalt  }
.Lfunc_end2:
_tile_overlayer_lowered:
.L_overlay_start_2:
0xdf: {  	(tag) =	ssettag $0x2  }
0xe0: {  	s0 =	rddreg [dreg:$0x0];
	s2 =	stileid.u32  }
0xe1: {  	s1 =	rddreg [dreg:$0x1];
	p0 =	sne.s32 s2, $0x0  }
0xe2: {  	s3 =	rddreg [dreg:$0x2];
	[bflag:$0x3] =	sbarrier.arrive $0xFFFF;
	s2 =	simm.s32 @!p0 $0x1C03  }
0xe3: {  	[timem:s3], [sflag:s2] =	dma.local @!p0 [hbm:s0], s1  }
0xe4: {  	s0 =	simm.s32 @!p0 $0x3  }
0xe5: {  	_ =	swait.ge @!p0 [sflag:s0], s1  }
0xe6: {  	s1 =	ssub.s32 @!p0 $0x0, s1;
	[sflag:s0] =	ssyncset.done @!p0 $0x0  }
0xe7: {  	[sflag:s0] =	ssyncadd.s32 @!p0 s1  }
0xe8: {  	[bflag:$0x3] =	sbarrier.arrive $0xFFFF  }
0xe9: {  	_ =	shalt  }

</sc_bundles>
